<compile_context>
chip_gen: v7x
topology: tpu7x:2x2x1
jax: 0.10.2.dev20260603
libtpu: 0.0.44.dev20260713+nightly
codegen_flags: <defaults>
</compile_context>

<pallas_src>
import jax
import jax.numpy as jnp
from jax import lax
from jax.experimental import pallas as pl
from jax.experimental.pallas import tpu as pltpu
from jax.experimental.pallas import tpu_sc as plsc

EMBED_DIM = 128
NUM_CORES = 2
NUM_SUBCORES = 16
NUM_WORKERS = NUM_CORES * NUM_SUBCORES

CHUNK_ROWS = 128
IDX_BLOCK = 32
NBUF = 4


def _embed_body(x2d_hbm, table_hbm, out_hbm, idx_v, rows_v, sem_g, sem_o,
                sem_i, table_sh):
  n_rows = out_hbm.shape[0]
  rows_per_worker = n_rows // NUM_WORKERS
  chunks_per_worker = rows_per_worker // CHUNK_ROWS
  n_idx_blocks = chunks_per_worker // IDX_BLOCK

  sid = lax.axis_index("s")
  wid = sid * NUM_CORES + lax.axis_index("c")
  chunk0 = wid * chunks_per_worker

  pltpu.sync_copy(table_hbm, table_sh.at[sid])
  tab = table_sh.at[sid]

  def idx_block_copy(i, parity):
    iblk = pl.multiple_of(chunk0 + i * IDX_BLOCK, IDX_BLOCK)
    return pltpu.make_async_copy(
        x2d_hbm.at[pl.ds(iblk, IDX_BLOCK)], idx_v.at[parity], sem_i.at[parity])

  def drain(b, c_prev):
    row0 = pl.multiple_of(c_prev * CHUNK_ROWS, CHUNK_ROWS)
    pltpu.make_async_copy(
        tab.at[idx_v.at[0].at[0]], rows_v.at[b], sem_g.at[b]).wait()
    pltpu.async_copy(
        rows_v.at[b], out_hbm.at[pl.ds(row0, CHUNK_ROWS)], sem_o.at[b]).wait()

  idx_block_copy(0, 0).start()

  def outer(i, _):
    p = lax.rem(i, 2)
    idx_block_copy(i, p).wait()

    def inner(jj, _):
      for b in range(NBUF):
        j = jj * NBUF + b
        g = i * IDX_BLOCK + j
        c = chunk0 + g

        @pl.when(g >= NBUF)
        def _():
          drain(b, c - NBUF)

        pltpu.async_copy(
            tab.at[idx_v.at[p].at[j]], rows_v.at[b], sem_g.at[b])
      return ()

    inner(0, ())

    @pl.when(i + 1 < n_idx_blocks)
    def _():
      idx_block_copy(i + 1, 1 - p).start()

    lax.fori_loop(1, IDX_BLOCK // NBUF, inner, (), unroll=False)
    return ()

  lax.fori_loop(0, n_idx_blocks, outer, (), unroll=False)

  n_chunks = chunks_per_worker
  for t in range(NBUF):
    g = n_chunks - NBUF + t
    drain(g % NBUF, chunk0 + g)


@jax.jit
def kernel(x, table):
  batch, seq = x.shape
  n_rows = batch * seq
  x2d = x.reshape(n_rows // EMBED_DIM, EMBED_DIM).astype(jnp.int32)
  table = table.astype(jnp.float32)

  mesh = plsc.VectorSubcoreMesh(core_axis_name="c", subcore_axis_name="s")
  run = pl.kernel(
      _embed_body,
      out_type=jax.ShapeDtypeStruct((n_rows, EMBED_DIM), jnp.float32),
      mesh=mesh,
      scratch_types=[
          pltpu.VMEM((2, IDX_BLOCK, EMBED_DIM), jnp.int32),
          pltpu.VMEM((NBUF, CHUNK_ROWS, EMBED_DIM), jnp.float32),
          pltpu.SemaphoreType.DMA((NBUF,)),
          pltpu.SemaphoreType.DMA((NBUF,)),
          pltpu.SemaphoreType.DMA((2,)),
          pltpu.VMEM_SHARED((NUM_SUBCORES, 4, EMBED_DIM), jnp.float32),
      ],
  )
  out = run(x2d, table)
  return out.reshape(batch, seq, EMBED_DIM)

# --- scband reference (transcript-rebuilt; emitter-appended) ---
"""Pipeline reference for scband-snpembedding-19095424598504 (READ-ONLY COPY).

The authoritative reference and input builder live on the scoring server;
editing this copy changes nothing except your own understanding.
"""

import jax, jax.numpy as jnp
import numpy as np

EMBED_DIM = 128
BATCH = 1024
SEQ_LEN = 2048


def setup_inputs(seed: int = 0) -> dict:
    key = jax.random.key(seed)
    k1, k2 = jax.random.split(key)
    # SNP genotype values in {0, 1, 2, 3}; 3 is the padding/missing index
    x = jax.random.randint(k1, (BATCH, SEQ_LEN), 0, 4, dtype=jnp.int64)
    # nn.Embedding(4, embed_dim, padding_idx=3): normal init, padding row zeroed
    table = jax.random.normal(k2, (4, EMBED_DIM), dtype=jnp.float32)
    table = table.at[3].set(0.0)
    return {"x": x, "table": table}


def reference(x, table):
    # embedding lookup (gather); dropout is identity in eval/inference mode
    embedded = jnp.take(table, x, axis=0)
    return embedded

if __name__ == "__main__":
    import jax
    _d = setup_inputs()
    print(jax.jit(kernel)(*tuple(_d.values())))

</pallas_src>

<mosaic_0001>
#map = affine_map<(d0, d1) -> (0, 0)>
module attributes {stable_mosaic.version = 14 : i64} {
  func.func @_embed_body(%arg0: i32, %arg1: i32, %arg2: memref<16384x128xi32, #tpu.memory_space<hbm>>, %arg3: memref<4x128xf32, #tpu.memory_space<hbm>>, %arg4: memref<2097152x128xf32, #tpu.memory_space<hbm>>, %arg5: memref<2x32x128xi32, #tpu.memory_space<vmem>>, %arg6: memref<4x128x128xf32, #tpu.memory_space<vmem>>, %arg7: memref<4x!tpu.dma_semaphore, #tpu.memory_space<semaphore_mem>>, %arg8: memref<4x!tpu.dma_semaphore, #tpu.memory_space<semaphore_mem>>, %arg9: memref<2x!tpu.dma_semaphore, #tpu.memory_space<semaphore_mem>>, %arg10: memref<16x4x128xf32, #tpu.memory_space<vmem_shared>>) attributes {dimension_semantics = [#tpu.dimension_semantics<core_parallel>, #tpu.dimension_semantics<subcore_parallel>], iteration_bounds = array<i64: 2, 16>, scalar_prefetch = 0 : i64, scratch_operands = 6 : i64, tpu.core_type = #tpu.core_type<sc_vector_subcore>, window_params = [{transform_indices = #map}, {transform_indices = #map}, {transform_indices = #map}]} {
    %mul3A = arith.constant 2 : i32
    %mul3A_0 = arith.muli %arg1, %mul3A : i32
    %add3A = arith.addi %mul3A_0, %arg0 : i32
    %mul3A_1 = arith.constant 512 : i32
    %mul3A_2 = arith.muli %add3A, %mul3A_1 : i32
    "tpu.region"() ({
      %run_scoped3A = tpu.sem_alloc : memref<!tpu.dma_semaphore, #tpu.memory_space<semaphore_mem>>
      %dma_start3A_267 = arith.constant 0 : i32
      %dma_start3A_268 = arith.constant 0 : i32
      %dma_start3A_269 = tpu.memref_slice %arg10[%arg1, %dma_start3A_267, %dma_start3A_268] : memref<16x4x128xf32, #tpu.memory_space<vmem_shared>> -> memref<1x4x128xf32, #tpu.memory_space<vmem_shared>>
      %dma_start3A_270 = tpu.memref_squeeze %dma_start3A_269 : memref<1x4x128xf32, #tpu.memory_space<vmem_shared>> -> memref<4x128xf32, #tpu.memory_space<vmem_shared>>
      tpu.enqueue_dma source(%arg3 : memref<4x128xf32, #tpu.memory_space<hbm>>) target(%dma_start3A_270 : memref<4x128xf32, #tpu.memory_space<vmem_shared>>) target_semaphore(%run_scoped3A : memref<!tpu.dma_semaphore, #tpu.memory_space<semaphore_mem>>)
      %dma_wait3A_271 = arith.constant 0 : i32
      %dma_wait3A_272 = arith.constant 0 : i32
      %dma_wait3A_273 = tpu.memref_slice %arg10[%arg1, %dma_wait3A_271, %dma_wait3A_272] : memref<16x4x128xf32, #tpu.memory_space<vmem_shared>> -> memref<1x4x128xf32, #tpu.memory_space<vmem_shared>>
      %dma_wait3A_274 = tpu.memref_squeeze %dma_wait3A_273 : memref<1x4x128xf32, #tpu.memory_space<vmem_shared>> -> memref<4x128xf32, #tpu.memory_space<vmem_shared>>
      tpu.wait_dma2 semaphore(%run_scoped3A : memref<!tpu.dma_semaphore, #tpu.memory_space<semaphore_mem>>) src(%arg3 : memref<4x128xf32, #tpu.memory_space<hbm>>) dst(%dma_wait3A_274 : memref<4x128xf32, #tpu.memory_space<vmem_shared>>)
      tpu.yield
    }) : () -> ()
    %add3A_3 = arith.constant 0 : i32
    %add3A_4 = arith.addi %mul3A_2, %add3A_3 : i32
    %multiple_of3A = tpu.assume_multiple %add3A_4, 32 : i32
    %dma_start3A = arith.constant 0 : i32
    %dma_start3A_5 = arith.constant 0 : i32
    %dma_start3A_6 = arith.constant 0 : i32
    %dma_start3A_7 = arith.constant 0 : i32
    %dma_start3A_8 = tpu.memref_slice %arg5[%dma_start3A, %dma_start3A_6, %dma_start3A_7] : memref<2x32x128xi32, #tpu.memory_space<vmem>> -> memref<1x32x128xi32, #tpu.memory_space<vmem>>
    %dma_start3A_9 = tpu.memref_squeeze %dma_start3A_8 : memref<1x32x128xi32, #tpu.memory_space<vmem>> -> memref<32x128xi32, #tpu.memory_space<vmem>>
    %dma_start3A_10 = arith.constant 0 : i32
    %dma_start3A_11 = tpu.memref_slice %arg2[%multiple_of3A, %dma_start3A_10] : memref<16384x128xi32, #tpu.memory_space<hbm>> -> memref<32x128xi32, #tpu.memory_space<hbm>>
    %dma_start3A_12 = tpu.memref_slice %arg9[%dma_start3A_5] : memref<2x!tpu.dma_semaphore, #tpu.memory_space<semaphore_mem>> -> memref<1x!tpu.dma_semaphore, #tpu.memory_space<semaphore_mem>>
    %dma_start3A_13 = tpu.memref_squeeze %dma_start3A_12 : memref<1x!tpu.dma_semaphore, #tpu.memory_space<semaphore_mem>> -> memref<!tpu.dma_semaphore, #tpu.memory_space<semaphore_mem>>
    %dma_start3A_14 = arith.constant 0 : i32
    %dma_start3A_15 = arith.constant 0 : i32
    %dma_start3A_16 = tpu.memref_slice %arg5[%dma_start3A, %dma_start3A_14, %dma_start3A_15] : memref<2x32x128xi32, #tpu.memory_space<vmem>> -> memref<1x32x128xi32, #tpu.memory_space<vmem>>
    %dma_start3A_17 = tpu.memref_squeeze %dma_start3A_16 : memref<1x32x128xi32, #tpu.memory_space<vmem>> -> memref<32x128xi32, #tpu.memory_space<vmem>>
    %dma_start3A_18 = arith.constant 0 : i32
    %dma_start3A_19 = tpu.memref_slice %arg2[%multiple_of3A, %dma_start3A_18] : memref<16384x128xi32, #tpu.memory_space<hbm>> -> memref<32x128xi32, #tpu.memory_space<hbm>>
    tpu.enqueue_dma source(%dma_start3A_19 : memref<32x128xi32, #tpu.memory_space<hbm>>) target(%dma_start3A_17 : memref<32x128xi32, #tpu.memory_space<vmem>>) target_semaphore(%dma_start3A_13 : memref<!tpu.dma_semaphore, #tpu.memory_space<semaphore_mem>>)
    %scan3A = arith.constant 0 : i32
    %scan3A_20 = arith.constant 16 : i32
    %scan3A_21 = arith.addi %scan3A, %scan3A_20 : i32
    %scan3A_22 = arith.constant 1 : i32
    scf.for %scan3A_267 = %scan3A to %scan3A_21 step %scan3A_22  : i32 {
      %rem3A = arith.constant 2 : i32
      %rem3A_268 = arith.remsi %scan3A_267, %rem3A : i32
      %mul3A_269 = arith.constant 32 : i32
      %mul3A_270 = arith.muli %scan3A_267, %mul3A_269 : i32
      %add3A_271 = arith.addi %mul3A_2, %mul3A_270 : i32
      %multiple_of3A_272 = tpu.assume_multiple %add3A_271, 32 : i32
      %dma_wait3A_273 = arith.constant 0 : i32
      %dma_wait3A_274 = arith.constant 0 : i32
      %dma_wait3A_275 = tpu.memref_slice %arg5[%rem3A_268, %dma_wait3A_273, %dma_wait3A_274] : memref<2x32x128xi32, #tpu.memory_space<vmem>> -> memref<1x32x128xi32, #tpu.memory_space<vmem>>
      %dma_wait3A_276 = tpu.memref_squeeze %dma_wait3A_275 : memref<1x32x128xi32, #tpu.memory_space<vmem>> -> memref<32x128xi32, #tpu.memory_space<vmem>>
      %dma_wait3A_277 = arith.constant 0 : i32
      %dma_wait3A_278 = tpu.memref_slice %arg2[%multiple_of3A_272, %dma_wait3A_277] : memref<16384x128xi32, #tpu.memory_space<hbm>> -> memref<32x128xi32, #tpu.memory_space<hbm>>
      %dma_wait3A_279 = tpu.memref_slice %arg9[%rem3A_268] : memref<2x!tpu.dma_semaphore, #tpu.memory_space<semaphore_mem>> -> memref<1x!tpu.dma_semaphore, #tpu.memory_space<semaphore_mem>>
      %dma_wait3A_280 = tpu.memref_squeeze %dma_wait3A_279 : memref<1x!tpu.dma_semaphore, #tpu.memory_space<semaphore_mem>> -> memref<!tpu.dma_semaphore, #tpu.memory_space<semaphore_mem>>
      %dma_wait3A_281 = arith.constant 0 : i32
      %dma_wait3A_282 = arith.constant 0 : i32
      %dma_wait3A_283 = tpu.memref_slice %arg5[%rem3A_268, %dma_wait3A_281, %dma_wait3A_282] : memref<2x32x128xi32, #tpu.memory_space<vmem>> -> memref<1x32x128xi32, #tpu.memory_space<vmem>>
      %dma_wait3A_284 = tpu.memref_squeeze %dma_wait3A_283 : memref<1x32x128xi32, #tpu.memory_space<vmem>> -> memref<32x128xi32, #tpu.memory_space<vmem>>
      %dma_wait3A_285 = arith.constant 0 : i32
      %dma_wait3A_286 = tpu.memref_slice %arg2[%multiple_of3A_272, %dma_wait3A_285] : memref<16384x128xi32, #tpu.memory_space<hbm>> -> memref<32x128xi32, #tpu.memory_space<hbm>>
      tpu.wait_dma2 semaphore(%dma_wait3A_280 : memref<!tpu.dma_semaphore, #tpu.memory_space<semaphore_mem>>) src(%dma_wait3A_286 : memref<32x128xi32, #tpu.memory_space<hbm>>) dst(%dma_wait3A_284 : memref<32x128xi32, #tpu.memory_space<vmem>>)
      %mul3A_287 = arith.constant 32 : i32
      %mul3A_288 = arith.muli %scan3A_267, %mul3A_287 : i32
      %add3A_289 = arith.constant 0 : i32
      %add3A_290 = arith.addi %mul3A_288, %add3A_289 : i32
      %add3A_291 = arith.addi %mul3A_2, %add3A_290 : i32
      %ge3A = arith.constant 4 : i32
      %ge3A_292 = arith.cmpi sge, %add3A_290, %ge3A : i32
      %convert_element_type3A = arith.extui %ge3A_292 : i1 to i32
      %cond3A = arith.constant 0 : i32
      %cond3A_293 = arith.cmpi ne, %convert_element_type3A, %cond3A : i32
      scf.if %cond3A_293 {
        %sub3A = arith.constant 4 : i32
        %sub3A_427 = arith.subi %add3A_291, %sub3A : i32
        %mul3A_428 = arith.constant 128 : i32
        %mul3A_429 = arith.muli %sub3A_427, %mul3A_428 : i32
        %multiple_of3A_430 = tpu.assume_multiple %mul3A_429, 128 : i32
        %dma_wait3A_431 = arith.constant 0 : i32
        %dma_wait3A_432 = arith.constant 0 : i32
        %dma_wait3A_433 = arith.constant 0 : i32
        %dma_wait3A_434 = arith.constant 0 : i32
        %dma_wait3A_435 = arith.constant 0 : i32
        %dma_wait3A_436 = arith.constant 0 : i32
        %dma_wait3A_437 = tpu.memref_slice %arg6[%dma_wait3A_433, %dma_wait3A_435, %dma_wait3A_436] : memref<4x128x128xf32, #tpu.memory_space<vmem>> -> memref<1x128x128xf32, #tpu.memory_space<vmem>>
        %dma_wait3A_438 = tpu.memref_squeeze %dma_wait3A_437 : memref<1x128x128xf32, #tpu.memory_space<vmem>> -> memref<128x128xf32, #tpu.memory_space<vmem>>
        %dma_wait3A_439 = arith.constant 0 : i32
        %dma_wait3A_440 = arith.constant 0 : i32
        %dma_wait3A_441 = tpu.memref_slice %arg5[%dma_wait3A_431, %dma_wait3A_439, %dma_wait3A_440] : memref<2x32x128xi32, #tpu.memory_space<vmem>> -> memref<1x32x128xi32, #tpu.memory_space<vmem>>
        %dma_wait3A_442 = tpu.memref_squeeze %dma_wait3A_441 : memref<1x32x128xi32, #tpu.memory_space<vmem>> -> memref<32x128xi32, #tpu.memory_space<vmem>>
        %dma_wait3A_443 = arith.constant 0 : i32
        %dma_wait3A_444 = tpu.memref_slice %dma_wait3A_442[%dma_wait3A_432, %dma_wait3A_443] : memref<32x128xi32, #tpu.memory_space<vmem>> -> memref<1x128xi32, #tpu.memory_space<vmem>>
        %dma_wait3A_445 = tpu.memref_squeeze %dma_wait3A_444 : memref<1x128xi32, #tpu.memory_space<vmem>> -> memref<128xi32, #tpu.memory_space<vmem>>
        %dma_wait3A_446 = arith.constant 0 : i32
        %dma_wait3A_447 = arith.constant 0 : i32
        %dma_wait3A_448 = tpu.memref_slice %arg10[%arg1, %dma_wait3A_446, %dma_wait3A_447] : memref<16x4x128xf32, #tpu.memory_space<vmem_shared>> -> memref<1x4x128xf32, #tpu.memory_space<vmem_shared>>
        %dma_wait3A_449 = tpu.memref_squeeze %dma_wait3A_448 : memref<1x4x128xf32, #tpu.memory_space<vmem_shared>> -> memref<4x128xf32, #tpu.memory_space<vmem_shared>>
        %dma_wait3A_450 = arith.constant 0 : i32
        %dma_wait3A_451 = arith.constant 0 : i32
        %dma_wait3A_452 = tpu.memref_slice %dma_wait3A_449[%dma_wait3A_450, %dma_wait3A_451] : memref<4x128xf32, #tpu.memory_space<vmem_shared>> -> memref<4x128xf32, #tpu.memory_space<vmem_shared>>
        %dma_wait3A_453 = tpu.memref_slice %arg7[%dma_wait3A_434] : memref<4x!tpu.dma_semaphore, #tpu.memory_space<semaphore_mem>> -> memref<1x!tpu.dma_semaphore, #tpu.memory_space<semaphore_mem>>
        %dma_wait3A_454 = tpu.memref_squeeze %dma_wait3A_453 : memref<1x!tpu.dma_semaphore, #tpu.memory_space<semaphore_mem>> -> memref<!tpu.dma_semaphore, #tpu.memory_space<semaphore_mem>>
        tpu.wait_indirect_dma semaphore(%dma_wait3A_454 : memref<!tpu.dma_semaphore, #tpu.memory_space<semaphore_mem>>) src(%dma_wait3A_452 : memref<4x128xf32, #tpu.memory_space<vmem_shared>>) dst(%dma_wait3A_438 : memref<128x128xf32, #tpu.memory_space<vmem>>)
        %dma_start3A_455 = arith.constant 0 : i32
        %dma_start3A_456 = arith.constant 0 : i32
        %dma_start3A_457 = arith.constant 0 : i32
        %dma_start3A_458 = arith.constant 0 : i32
        %dma_start3A_459 = tpu.memref_slice %arg6[%dma_start3A_455, %dma_start3A_457, %dma_start3A_458] : memref<4x128x128xf32, #tpu.memory_space<vmem>> -> memref<1x128x128xf32, #tpu.memory_space<vmem>>
        %dma_start3A_460 = tpu.memref_squeeze %dma_start3A_459 : memref<1x128x128xf32, #tpu.memory_space<vmem>> -> memref<128x128xf32, #tpu.memory_space<vmem>>
        %dma_start3A_461 = arith.constant 0 : i32
        %dma_start3A_462 = tpu.memref_slice %arg4[%multiple_of3A_430, %dma_start3A_461] : memref<2097152x128xf32, #tpu.memory_space<hbm>> -> memref<128x128xf32, #tpu.memory_space<hbm>>
        %dma_start3A_463 = tpu.memref_slice %arg8[%dma_start3A_456] : memref<4x!tpu.dma_semaphore, #tpu.memory_space<semaphore_mem>> -> memref<1x!tpu.dma_semaphore, #tpu.memory_space<semaphore_mem>>
        %dma_start3A_464 = tpu.memref_squeeze %dma_start3A_463 : memref<1x!tpu.dma_semaphore, #tpu.memory_space<semaphore_mem>> -> memref<!tpu.dma_semaphore, #tpu.memory_space<semaphore_mem>>
        %dma_start3A_465 = arith.constant 0 : i32
        %dma_start3A_466 = tpu.memref_slice %arg4[%multiple_of3A_430, %dma_start3A_465] : memref<2097152x128xf32, #tpu.memory_space<hbm>> -> memref<128x128xf32, #tpu.memory_space<hbm>>
        %dma_start3A_467 = arith.constant 0 : i32
        %dma_start3A_468 = arith.constant 0 : i32
        %dma_start3A_469 = tpu.memref_slice %arg6[%dma_start3A_455, %dma_start3A_467, %dma_start3A_468] : memref<4x128x128xf32, #tpu.memory_space<vmem>> -> memref<1x128x128xf32, #tpu.memory_space<vmem>>
        %dma_start3A_470 = tpu.memref_squeeze %dma_start3A_469 : memref<1x128x128xf32, #tpu.memory_space<vmem>> -> memref<128x128xf32, #tpu.memory_space<vmem>>
        tpu.enqueue_dma source(%dma_start3A_470 : memref<128x128xf32, #tpu.memory_space<vmem>>) target(%dma_start3A_466 : memref<128x128xf32, #tpu.memory_space<hbm>>) target_semaphore(%dma_start3A_464 : memref<!tpu.dma_semaphore, #tpu.memory_space<semaphore_mem>>)
        %dma_wait3A_471 = arith.constant 0 : i32
        %dma_wait3A_472 = arith.constant 0 : i32
        %dma_wait3A_473 = arith.constant 0 : i32
        %dma_wait3A_474 = arith.constant 0 : i32
        %dma_wait3A_475 = tpu.memref_slice %arg6[%dma_wait3A_471, %dma_wait3A_473, %dma_wait3A_474] : memref<4x128x128xf32, #tpu.memory_space<vmem>> -> memref<1x128x128xf32, #tpu.memory_space<vmem>>
        %dma_wait3A_476 = tpu.memref_squeeze %dma_wait3A_475 : memref<1x128x128xf32, #tpu.memory_space<vmem>> -> memref<128x128xf32, #tpu.memory_space<vmem>>
        %dma_wait3A_477 = arith.constant 0 : i32
        %dma_wait3A_478 = tpu.memref_slice %arg4[%multiple_of3A_430, %dma_wait3A_477] : memref<2097152x128xf32, #tpu.memory_space<hbm>> -> memref<128x128xf32, #tpu.memory_space<hbm>>
        %dma_wait3A_479 = tpu.memref_slice %arg8[%dma_wait3A_472] : memref<4x!tpu.dma_semaphore, #tpu.memory_space<semaphore_mem>> -> memref<1x!tpu.dma_semaphore, #tpu.memory_space<semaphore_mem>>
        %dma_wait3A_480 = tpu.memref_squeeze %dma_wait3A_479 : memref<1x!tpu.dma_semaphore, #tpu.memory_space<semaphore_mem>> -> memref<!tpu.dma_semaphore, #tpu.memory_space<semaphore_mem>>
        %dma_wait3A_481 = arith.constant 0 : i32
        %dma_wait3A_482 = tpu.memref_slice %arg4[%multiple_of3A_430, %dma_wait3A_481] : memref<2097152x128xf32, #tpu.memory_space<hbm>> -> memref<128x128xf32, #tpu.memory_space<hbm>>
        %dma_wait3A_483 = arith.constant 0 : i32
        %dma_wait3A_484 = arith.constant 0 : i32
        %dma_wait3A_485 = tpu.memref_slice %arg6[%dma_wait3A_471, %dma_wait3A_483, %dma_wait3A_484] : memref<4x128x128xf32, #tpu.memory_space<vmem>> -> memref<1x128x128xf32, #tpu.memory_space<vmem>>
        %dma_wait3A_486 = tpu.memref_squeeze %dma_wait3A_485 : memref<1x128x128xf32, #tpu.memory_space<vmem>> -> memref<128x128xf32, #tpu.memory_space<vmem>>
        tpu.wait_dma2 semaphore(%dma_wait3A_480 : memref<!tpu.dma_semaphore, #tpu.memory_space<semaphore_mem>>) src(%dma_wait3A_486 : memref<128x128xf32, #tpu.memory_space<vmem>>) dst(%dma_wait3A_482 : memref<128x128xf32, #tpu.memory_space<hbm>>)
      } else {
      }
      %dma_start3A_294 = arith.constant 0 : i32
      %dma_start3A_295 = arith.constant 0 : i32
      %dma_start3A_296 = arith.constant 0 : i32
      %dma_start3A_297 = arith.constant 0 : i32
      %dma_start3A_298 = arith.constant 0 : i32
      %dma_start3A_299 = tpu.memref_slice %arg6[%dma_start3A_295, %dma_start3A_297, %dma_start3A_298] : memref<4x128x128xf32, #tpu.memory_space<vmem>> -> memref<1x128x128xf32, #tpu.memory_space<vmem>>
      %dma_start3A_300 = tpu.memref_squeeze %dma_start3A_299 : memref<1x128x128xf32, #tpu.memory_space<vmem>> -> memref<128x128xf32, #tpu.memory_space<vmem>>
      %dma_start3A_301 = arith.constant 0 : i32
      %dma_start3A_302 = arith.constant 0 : i32
      %dma_start3A_303 = tpu.memref_slice %arg5[%rem3A_268, %dma_start3A_301, %dma_start3A_302] : memref<2x32x128xi32, #tpu.memory_space<vmem>> -> memref<1x32x128xi32, #tpu.memory_space<vmem>>
      %dma_start3A_304 = tpu.memref_squeeze %dma_start3A_303 : memref<1x32x128xi32, #tpu.memory_space<vmem>> -> memref<32x128xi32, #tpu.memory_space<vmem>>
      %dma_start3A_305 = arith.constant 0 : i32
      %dma_start3A_306 = tpu.memref_slice %dma_start3A_304[%dma_start3A_294, %dma_start3A_305] : memref<32x128xi32, #tpu.memory_space<vmem>> -> memref<1x128xi32, #tpu.memory_space<vmem>>
      %dma_start3A_307 = tpu.memref_squeeze %dma_start3A_306 : memref<1x128xi32, #tpu.memory_space<vmem>> -> memref<128xi32, #tpu.memory_space<vmem>>
      %dma_start3A_308 = arith.constant 0 : i32
      %dma_start3A_309 = arith.constant 0 : i32
      %dma_start3A_310 = tpu.memref_slice %arg10[%arg1, %dma_start3A_308, %dma_start3A_309] : memref<16x4x128xf32, #tpu.memory_space<vmem_shared>> -> memref<1x4x128xf32, #tpu.memory_space<vmem_shared>>
      %dma_start3A_311 = tpu.memref_squeeze %dma_start3A_310 : memref<1x4x128xf32, #tpu.memory_space<vmem_shared>> -> memref<4x128xf32, #tpu.memory_space<vmem_shared>>
      %dma_start3A_312 = arith.constant 0 : i32
      %dma_start3A_313 = arith.constant 0 : i32
      %dma_start3A_314 = tpu.memref_slice %dma_start3A_311[%dma_start3A_312, %dma_start3A_313] : memref<4x128xf32, #tpu.memory_space<vmem_shared>> -> memref<4x128xf32, #tpu.memory_space<vmem_shared>>
      %dma_start3A_315 = tpu.memref_slice %arg7[%dma_start3A_296] : memref<4x!tpu.dma_semaphore, #tpu.memory_space<semaphore_mem>> -> memref<1x!tpu.dma_semaphore, #tpu.memory_space<semaphore_mem>>
      %dma_start3A_316 = tpu.memref_squeeze %dma_start3A_315 : memref<1x!tpu.dma_semaphore, #tpu.memory_space<semaphore_mem>> -> memref<!tpu.dma_semaphore, #tpu.memory_space<semaphore_mem>>
      tpu.enqueue_indirect_dma source(%dma_start3A_314 : memref<4x128xf32, #tpu.memory_space<vmem_shared>>) target(%dma_start3A_300 : memref<128x128xf32, #tpu.memory_space<vmem>>) offsets(%dma_start3A_307 : memref<128xi32, #tpu.memory_space<vmem>>) semaphore(%dma_start3A_316 : memref<!tpu.dma_semaphore, #tpu.memory_space<semaphore_mem>>)
      %mul3A_317 = arith.constant 32 : i32
      %mul3A_318 = arith.muli %scan3A_267, %mul3A_317 : i32
      %add3A_319 = arith.constant 1 : i32
      %add3A_320 = arith.addi %mul3A_318, %add3A_319 : i32
      %add3A_321 = arith.addi %mul3A_2, %add3A_320 : i32
      %ge3A_322 = arith.constant 4 : i32
      %ge3A_323 = arith.cmpi sge, %add3A_320, %ge3A_322 : i32
      %convert_element_type3A_324 = arith.extui %ge3A_323 : i1 to i32
      %cond3A_325 = arith.constant 0 : i32
      %cond3A_326 = arith.cmpi ne, %convert_element_type3A_324, %cond3A_325 : i32
      scf.if %cond3A_326 {
        %sub3A = arith.constant 4 : i32
        %sub3A_427 = arith.subi %add3A_321, %sub3A : i32
        %mul3A_428 = arith.constant 128 : i32
        %mul3A_429 = arith.muli %sub3A_427, %mul3A_428 : i32
        %multiple_of3A_430 = tpu.assume_multiple %mul3A_429, 128 : i32
        %dma_wait3A_431 = arith.constant 0 : i32
        %dma_wait3A_432 = arith.constant 0 : i32
        %dma_wait3A_433 = arith.constant 1 : i32
        %dma_wait3A_434 = arith.constant 1 : i32
        %dma_wait3A_435 = arith.constant 0 : i32
        %dma_wait3A_436 = arith.constant 0 : i32
        %dma_wait3A_437 = tpu.memref_slice %arg6[%dma_wait3A_433, %dma_wait3A_435, %dma_wait3A_436] : memref<4x128x128xf32, #tpu.memory_space<vmem>> -> memref<1x128x128xf32, #tpu.memory_space<vmem>>
        %dma_wait3A_438 = tpu.memref_squeeze %dma_wait3A_437 : memref<1x128x128xf32, #tpu.memory_space<vmem>> -> memref<128x128xf32, #tpu.memory_space<vmem>>
        %dma_wait3A_439 = arith.constant 0 : i32
        %dma_wait3A_440 = arith.constant 0 : i32
        %dma_wait3A_441 = tpu.memref_slice %arg5[%dma_wait3A_431, %dma_wait3A_439, %dma_wait3A_440] : memref<2x32x128xi32, #tpu.memory_space<vmem>> -> memref<1x32x128xi32, #tpu.memory_space<vmem>>
        %dma_wait3A_442 = tpu.memref_squeeze %dma_wait3A_441 : memref<1x32x128xi32, #tpu.memory_space<vmem>> -> memref<32x128xi32, #tpu.memory_space<vmem>>
        %dma_wait3A_443 = arith.constant 0 : i32
        %dma_wait3A_444 = tpu.memref_slice %dma_wait3A_442[%dma_wait3A_432, %dma_wait3A_443] : memref<32x128xi32, #tpu.memory_space<vmem>> -> memref<1x128xi32, #tpu.memory_space<vmem>>
        %dma_wait3A_445 = tpu.memref_squeeze %dma_wait3A_444 : memref<1x128xi32, #tpu.memory_space<vmem>> -> memref<128xi32, #tpu.memory_space<vmem>>
        %dma_wait3A_446 = arith.constant 0 : i32
        %dma_wait3A_447 = arith.constant 0 : i32
        %dma_wait3A_448 = tpu.memref_slice %arg10[%arg1, %dma_wait3A_446, %dma_wait3A_447] : memref<16x4x128xf32, #tpu.memory_space<vmem_shared>> -> memref<1x4x128xf32, #tpu.memory_space<vmem_shared>>
        %dma_wait3A_449 = tpu.memref_squeeze %dma_wait3A_448 : memref<1x4x128xf32, #tpu.memory_space<vmem_shared>> -> memref<4x128xf32, #tpu.memory_space<vmem_shared>>
        %dma_wait3A_450 = arith.constant 0 : i32
        %dma_wait3A_451 = arith.constant 0 : i32
        %dma_wait3A_452 = tpu.memref_slice %dma_wait3A_449[%dma_wait3A_450, %dma_wait3A_451] : memref<4x128xf32, #tpu.memory_space<vmem_shared>> -> memref<4x128xf32, #tpu.memory_space<vmem_shared>>
        %dma_wait3A_453 = tpu.memref_slice %arg7[%dma_wait3A_434] : memref<4x!tpu.dma_semaphore, #tpu.memory_space<semaphore_mem>> -> memref<1x!tpu.dma_semaphore, #tpu.memory_space<semaphore_mem>>
        %dma_wait3A_454 = tpu.memref_squeeze %dma_wait3A_453 : memref<1x!tpu.dma_semaphore, #tpu.memory_space<semaphore_mem>> -> memref<!tpu.dma_semaphore, #tpu.memory_space<semaphore_mem>>
        tpu.wait_indirect_dma semaphore(%dma_wait3A_454 : memref<!tpu.dma_semaphore, #tpu.memory_space<semaphore_mem>>) src(%dma_wait3A_452 : memref<4x128xf32, #tpu.memory_space<vmem_shared>>) dst(%dma_wait3A_438 : memref<128x128xf32, #tpu.memory_space<vmem>>)
        %dma_start3A_455 = arith.constant 1 : i32
        %dma_start3A_456 = arith.constant 1 : i32
        %dma_start3A_457 = arith.constant 0 : i32
        %dma_start3A_458 = arith.constant 0 : i32
        %dma_start3A_459 = tpu.memref_slice %arg6[%dma_start3A_455, %dma_start3A_457, %dma_start3A_458] : memref<4x128x128xf32, #tpu.memory_space<vmem>> -> memref<1x128x128xf32, #tpu.memory_space<vmem>>
        %dma_start3A_460 = tpu.memref_squeeze %dma_start3A_459 : memref<1x128x128xf32, #tpu.memory_space<vmem>> -> memref<128x128xf32, #tpu.memory_space<vmem>>
        %dma_start3A_461 = arith.constant 0 : i32
        %dma_start3A_462 = tpu.memref_slice %arg4[%multiple_of3A_430, %dma_start3A_461] : memref<2097152x128xf32, #tpu.memory_space<hbm>> -> memref<128x128xf32, #tpu.memory_space<hbm>>
        %dma_start3A_463 = tpu.memref_slice %arg8[%dma_start3A_456] : memref<4x!tpu.dma_semaphore, #tpu.memory_space<semaphore_mem>> -> memref<1x!tpu.dma_semaphore, #tpu.memory_space<semaphore_mem>>
        %dma_start3A_464 = tpu.memref_squeeze %dma_start3A_463 : memref<1x!tpu.dma_semaphore, #tpu.memory_space<semaphore_mem>> -> memref<!tpu.dma_semaphore, #tpu.memory_space<semaphore_mem>>
        %dma_start3A_465 = arith.constant 0 : i32
        %dma_start3A_466 = tpu.memref_slice %arg4[%multiple_of3A_430, %dma_start3A_465] : memref<2097152x128xf32, #tpu.memory_space<hbm>> -> memref<128x128xf32, #tpu.memory_space<hbm>>
        %dma_start3A_467 = arith.constant 0 : i32
        %dma_start3A_468 = arith.constant 0 : i32
        %dma_start3A_469 = tpu.memref_slice %arg6[%dma_start3A_455, %dma_start3A_467, %dma_start3A_468] : memref<4x128x128xf32, #tpu.memory_space<vmem>> -> memref<1x128x128xf32, #tpu.memory_space<vmem>>
        %dma_start3A_470 = tpu.memref_squeeze %dma_start3A_469 : memref<1x128x128xf32, #tpu.memory_space<vmem>> -> memref<128x128xf32, #tpu.memory_space<vmem>>
        tpu.enqueue_dma source(%dma_start3A_470 : memref<128x128xf32, #tpu.memory_space<vmem>>) target(%dma_start3A_466 : memref<128x128xf32, #tpu.memory_space<hbm>>) target_semaphore(%dma_start3A_464 : memref<!tpu.dma_semaphore, #tpu.memory_space<semaphore_mem>>)
        %dma_wait3A_471 = arith.constant 1 : i32
        %dma_wait3A_472 = arith.constant 1 : i32
        %dma_wait3A_473 = arith.constant 0 : i32
        %dma_wait3A_474 = arith.constant 0 : i32
        %dma_wait3A_475 = tpu.memref_slice %arg6[%dma_wait3A_471, %dma_wait3A_473, %dma_wait3A_474] : memref<4x128x128xf32, #tpu.memory_space<vmem>> -> memref<1x128x128xf32, #tpu.memory_space<vmem>>
        %dma_wait3A_476 = tpu.memref_squeeze %dma_wait3A_475 : memref<1x128x128xf32, #tpu.memory_space<vmem>> -> memref<128x128xf32, #tpu.memory_space<vmem>>
        %dma_wait3A_477 = arith.constant 0 : i32
        %dma_wait3A_478 = tpu.memref_slice %arg4[%multiple_of3A_430, %dma_wait3A_477] : memref<2097152x128xf32, #tpu.memory_space<hbm>> -> memref<128x128xf32, #tpu.memory_space<hbm>>
        %dma_wait3A_479 = tpu.memref_slice %arg8[%dma_wait3A_472] : memref<4x!tpu.dma_semaphore, #tpu.memory_space<semaphore_mem>> -> memref<1x!tpu.dma_semaphore, #tpu.memory_space<semaphore_mem>>
        %dma_wait3A_480 = tpu.memref_squeeze %dma_wait3A_479 : memref<1x!tpu.dma_semaphore, #tpu.memory_space<semaphore_mem>> -> memref<!tpu.dma_semaphore, #tpu.memory_space<semaphore_mem>>
        %dma_wait3A_481 = arith.constant 0 : i32
        %dma_wait3A_482 = tpu.memref_slice %arg4[%multiple_of3A_430, %dma_wait3A_481] : memref<2097152x128xf32, #tpu.memory_space<hbm>> -> memref<128x128xf32, #tpu.memory_space<hbm>>
        %dma_wait3A_483 = arith.constant 0 : i32
        %dma_wait3A_484 = arith.constant 0 : i32
        %dma_wait3A_485 = tpu.memref_slice %arg6[%dma_wait3A_471, %dma_wait3A_483, %dma_wait3A_484] : memref<4x128x128xf32, #tpu.memory_space<vmem>> -> memref<1x128x128xf32, #tpu.memory_space<vmem>>
        %dma_wait3A_486 = tpu.memref_squeeze %dma_wait3A_485 : memref<1x128x128xf32, #tpu.memory_space<vmem>> -> memref<128x128xf32, #tpu.memory_space<vmem>>
        tpu.wait_dma2 semaphore(%dma_wait3A_480 : memref<!tpu.dma_semaphore, #tpu.memory_space<semaphore_mem>>) src(%dma_wait3A_486 : memref<128x128xf32, #tpu.memory_space<vmem>>) dst(%dma_wait3A_482 : memref<128x128xf32, #tpu.memory_space<hbm>>)
      } else {
      }
      %dma_start3A_327 = arith.constant 1 : i32
      %dma_start3A_328 = arith.constant 1 : i32
      %dma_start3A_329 = arith.constant 1 : i32
      %dma_start3A_330 = arith.constant 0 : i32
      %dma_start3A_331 = arith.constant 0 : i32
      %dma_start3A_332 = tpu.memref_slice %arg6[%dma_start3A_328, %dma_start3A_330, %dma_start3A_331] : memref<4x128x128xf32, #tpu.memory_space<vmem>> -> memref<1x128x128xf32, #tpu.memory_space<vmem>>
      %dma_start3A_333 = tpu.memref_squeeze %dma_start3A_332 : memref<1x128x128xf32, #tpu.memory_space<vmem>> -> memref<128x128xf32, #tpu.memory_space<vmem>>
      %dma_start3A_334 = arith.constant 0 : i32
      %dma_start3A_335 = arith.constant 0 : i32
      %dma_start3A_336 = tpu.memref_slice %arg5[%rem3A_268, %dma_start3A_334, %dma_start3A_335] : memref<2x32x128xi32, #tpu.memory_space<vmem>> -> memref<1x32x128xi32, #tpu.memory_space<vmem>>
      %dma_start3A_337 = tpu.memref_squeeze %dma_start3A_336 : memref<1x32x128xi32, #tpu.memory_space<vmem>> -> memref<32x128xi32, #tpu.memory_space<vmem>>
      %dma_start3A_338 = arith.constant 0 : i32
      %dma_start3A_339 = tpu.memref_slice %dma_start3A_337[%dma_start3A_327, %dma_start3A_338] : memref<32x128xi32, #tpu.memory_space<vmem>> -> memref<1x128xi32, #tpu.memory_space<vmem>>
      %dma_start3A_340 = tpu.memref_squeeze %dma_start3A_339 : memref<1x128xi32, #tpu.memory_space<vmem>> -> memref<128xi32, #tpu.memory_space<vmem>>
      %dma_start3A_341 = arith.constant 0 : i32
      %dma_start3A_342 = arith.constant 0 : i32
      %dma_start3A_343 = tpu.memref_slice %arg10[%arg1, %dma_start3A_341, %dma_start3A_342] : memref<16x4x128xf32, #tpu.memory_space<vmem_shared>> -> memref<1x4x128xf32, #tpu.memory_space<vmem_shared>>
      %dma_start3A_344 = tpu.memref_squeeze %dma_start3A_343 : memref<1x4x128xf32, #tpu.memory_space<vmem_shared>> -> memref<4x128xf32, #tpu.memory_space<vmem_shared>>
      %dma_start3A_345 = arith.constant 0 : i32
      %dma_start3A_346 = arith.constant 0 : i32
      %dma_start3A_347 = tpu.memref_slice %dma_start3A_344[%dma_start3A_345, %dma_start3A_346] : memref<4x128xf32, #tpu.memory_space<vmem_shared>> -> memref<4x128xf32, #tpu.memory_space<vmem_shared>>
      %dma_start3A_348 = tpu.memref_slice %arg7[%dma_start3A_329] : memref<4x!tpu.dma_semaphore, #tpu.memory_space<semaphore_mem>> -> memref<1x!tpu.dma_semaphore, #tpu.memory_space<semaphore_mem>>
      %dma_start3A_349 = tpu.memref_squeeze %dma_start3A_348 : memref<1x!tpu.dma_semaphore, #tpu.memory_space<semaphore_mem>> -> memref<!tpu.dma_semaphore, #tpu.memory_space<semaphore_mem>>
      tpu.enqueue_indirect_dma source(%dma_start3A_347 : memref<4x128xf32, #tpu.memory_space<vmem_shared>>) target(%dma_start3A_333 : memref<128x128xf32, #tpu.memory_space<vmem>>) offsets(%dma_start3A_340 : memref<128xi32, #tpu.memory_space<vmem>>) semaphore(%dma_start3A_349 : memref<!tpu.dma_semaphore, #tpu.memory_space<semaphore_mem>>)
      %mul3A_350 = arith.constant 32 : i32
      %mul3A_351 = arith.muli %scan3A_267, %mul3A_350 : i32
      %add3A_352 = arith.constant 2 : i32
      %add3A_353 = arith.addi %mul3A_351, %add3A_352 : i32
      %add3A_354 = arith.addi %mul3A_2, %add3A_353 : i32
      %ge3A_355 = arith.constant 4 : i32
      %ge3A_356 = arith.cmpi sge, %add3A_353, %ge3A_355 : i32
      %convert_element_type3A_357 = arith.extui %ge3A_356 : i1 to i32
      %cond3A_358 = arith.constant 0 : i32
      %cond3A_359 = arith.cmpi ne, %convert_element_type3A_357, %cond3A_358 : i32
      scf.if %cond3A_359 {
        %sub3A = arith.constant 4 : i32
        %sub3A_427 = arith.subi %add3A_354, %sub3A : i32
        %mul3A_428 = arith.constant 128 : i32
        %mul3A_429 = arith.muli %sub3A_427, %mul3A_428 : i32
        %multiple_of3A_430 = tpu.assume_multiple %mul3A_429, 128 : i32
        %dma_wait3A_431 = arith.constant 0 : i32
        %dma_wait3A_432 = arith.constant 0 : i32
        %dma_wait3A_433 = arith.constant 2 : i32
        %dma_wait3A_434 = arith.constant 2 : i32
        %dma_wait3A_435 = arith.constant 0 : i32
        %dma_wait3A_436 = arith.constant 0 : i32
        %dma_wait3A_437 = tpu.memref_slice %arg6[%dma_wait3A_433, %dma_wait3A_435, %dma_wait3A_436] : memref<4x128x128xf32, #tpu.memory_space<vmem>> -> memref<1x128x128xf32, #tpu.memory_space<vmem>>
        %dma_wait3A_438 = tpu.memref_squeeze %dma_wait3A_437 : memref<1x128x128xf32, #tpu.memory_space<vmem>> -> memref<128x128xf32, #tpu.memory_space<vmem>>
        %dma_wait3A_439 = arith.constant 0 : i32
        %dma_wait3A_440 = arith.constant 0 : i32
        %dma_wait3A_441 = tpu.memref_slice %arg5[%dma_wait3A_431, %dma_wait3A_439, %dma_wait3A_440] : memref<2x32x128xi32, #tpu.memory_space<vmem>> -> memref<1x32x128xi32, #tpu.memory_space<vmem>>
        %dma_wait3A_442 = tpu.memref_squeeze %dma_wait3A_441 : memref<1x32x128xi32, #tpu.memory_space<vmem>> -> memref<32x128xi32, #tpu.memory_space<vmem>>
        %dma_wait3A_443 = arith.constant 0 : i32
        %dma_wait3A_444 = tpu.memref_slice %dma_wait3A_442[%dma_wait3A_432, %dma_wait3A_443] : memref<32x128xi32, #tpu.memory_space<vmem>> -> memref<1x128xi32, #tpu.memory_space<vmem>>
        %dma_wait3A_445 = tpu.memref_squeeze %dma_wait3A_444 : memref<1x128xi32, #tpu.memory_space<vmem>> -> memref<128xi32, #tpu.memory_space<vmem>>
        %dma_wait3A_446 = arith.constant 0 : i32
        %dma_wait3A_447 = arith.constant 0 : i32
        %dma_wait3A_448 = tpu.memref_slice %arg10[%arg1, %dma_wait3A_446, %dma_wait3A_447] : memref<16x4x128xf32, #tpu.memory_space<vmem_shared>> -> memref<1x4x128xf32, #tpu.memory_space<vmem_shared>>
        %dma_wait3A_449 = tpu.memref_squeeze %dma_wait3A_448 : memref<1x4x128xf32, #tpu.memory_space<vmem_shared>> -> memref<4x128xf32, #tpu.memory_space<vmem_shared>>
        %dma_wait3A_450 = arith.constant 0 : i32
        %dma_wait3A_451 = arith.constant 0 : i32
        %dma_wait3A_452 = tpu.memref_slice %dma_wait3A_449[%dma_wait3A_450, %dma_wait3A_451] : memref<4x128xf32, #tpu.memory_space<vmem_shared>> -> memref<4x128xf32, #tpu.memory_space<vmem_shared>>
        %dma_wait3A_453 = tpu.memref_slice %arg7[%dma_wait3A_434] : memref<4x!tpu.dma_semaphore, #tpu.memory_space<semaphore_mem>> -> memref<1x!tpu.dma_semaphore, #tpu.memory_space<semaphore_mem>>
        %dma_wait3A_454 = tpu.memref_squeeze %dma_wait3A_453 : memref<1x!tpu.dma_semaphore, #tpu.memory_space<semaphore_mem>> -> memref<!tpu.dma_semaphore, #tpu.memory_space<semaphore_mem>>
        tpu.wait_indirect_dma semaphore(%dma_wait3A_454 : memref<!tpu.dma_semaphore, #tpu.memory_space<semaphore_mem>>) src(%dma_wait3A_452 : memref<4x128xf32, #tpu.memory_space<vmem_shared>>) dst(%dma_wait3A_438 : memref<128x128xf32, #tpu.memory_space<vmem>>)
        %dma_start3A_455 = arith.constant 2 : i32
        %dma_start3A_456 = arith.constant 2 : i32
        %dma_start3A_457 = arith.constant 0 : i32
        %dma_start3A_458 = arith.constant 0 : i32
        %dma_start3A_459 = tpu.memref_slice %arg6[%dma_start3A_455, %dma_start3A_457, %dma_start3A_458] : memref<4x128x128xf32, #tpu.memory_space<vmem>> -> memref<1x128x128xf32, #tpu.memory_space<vmem>>
        %dma_start3A_460 = tpu.memref_squeeze %dma_start3A_459 : memref<1x128x128xf32, #tpu.memory_space<vmem>> -> memref<128x128xf32, #tpu.memory_space<vmem>>
        %dma_start3A_461 = arith.constant 0 : i32
        %dma_start3A_462 = tpu.memref_slice %arg4[%multiple_of3A_430, %dma_start3A_461] : memref<2097152x128xf32, #tpu.memory_space<hbm>> -> memref<128x128xf32, #tpu.memory_space<hbm>>
        %dma_start3A_463 = tpu.memref_slice %arg8[%dma_start3A_456] : memref<4x!tpu.dma_semaphore, #tpu.memory_space<semaphore_mem>> -> memref<1x!tpu.dma_semaphore, #tpu.memory_space<semaphore_mem>>
        %dma_start3A_464 = tpu.memref_squeeze %dma_start3A_463 : memref<1x!tpu.dma_semaphore, #tpu.memory_space<semaphore_mem>> -> memref<!tpu.dma_semaphore, #tpu.memory_space<semaphore_mem>>
        %dma_start3A_465 = arith.constant 0 : i32
        %dma_start3A_466 = tpu.memref_slice %arg4[%multiple_of3A_430, %dma_start3A_465] : memref<2097152x128xf32, #tpu.memory_space<hbm>> -> memref<128x128xf32, #tpu.memory_space<hbm>>
        %dma_start3A_467 = arith.constant 0 : i32
        %dma_start3A_468 = arith.constant 0 : i32
        %dma_start3A_469 = tpu.memref_slice %arg6[%dma_start3A_455, %dma_start3A_467, %dma_start3A_468] : memref<4x128x128xf32, #tpu.memory_space<vmem>> -> memref<1x128x128xf32, #tpu.memory_space<vmem>>
        %dma_start3A_470 = tpu.memref_squeeze %dma_start3A_469 : memref<1x128x128xf32, #tpu.memory_space<vmem>> -> memref<128x128xf32, #tpu.memory_space<vmem>>
        tpu.enqueue_dma source(%dma_start3A_470 : memref<128x128xf32, #tpu.memory_space<vmem>>) target(%dma_start3A_466 : memref<128x128xf32, #tpu.memory_space<hbm>>) target_semaphore(%dma_start3A_464 : memref<!tpu.dma_semaphore, #tpu.memory_space<semaphore_mem>>)
        %dma_wait3A_471 = arith.constant 2 : i32
        %dma_wait3A_472 = arith.constant 2 : i32
        %dma_wait3A_473 = arith.constant 0 : i32
        %dma_wait3A_474 = arith.constant 0 : i32
        %dma_wait3A_475 = tpu.memref_slice %arg6[%dma_wait3A_471, %dma_wait3A_473, %dma_wait3A_474] : memref<4x128x128xf32, #tpu.memory_space<vmem>> -> memref<1x128x128xf32, #tpu.memory_space<vmem>>
        %dma_wait3A_476 = tpu.memref_squeeze %dma_wait3A_475 : memref<1x128x128xf32, #tpu.memory_space<vmem>> -> memref<128x128xf32, #tpu.memory_space<vmem>>
        %dma_wait3A_477 = arith.constant 0 : i32
        %dma_wait3A_478 = tpu.memref_slice %arg4[%multiple_of3A_430, %dma_wait3A_477] : memref<2097152x128xf32, #tpu.memory_space<hbm>> -> memref<128x128xf32, #tpu.memory_space<hbm>>
        %dma_wait3A_479 = tpu.memref_slice %arg8[%dma_wait3A_472] : memref<4x!tpu.dma_semaphore, #tpu.memory_space<semaphore_mem>> -> memref<1x!tpu.dma_semaphore, #tpu.memory_space<semaphore_mem>>
        %dma_wait3A_480 = tpu.memref_squeeze %dma_wait3A_479 : memref<1x!tpu.dma_semaphore, #tpu.memory_space<semaphore_mem>> -> memref<!tpu.dma_semaphore, #tpu.memory_space<semaphore_mem>>
        %dma_wait3A_481 = arith.constant 0 : i32
        %dma_wait3A_482 = tpu.memref_slice %arg4[%multiple_of3A_430, %dma_wait3A_481] : memref<2097152x128xf32, #tpu.memory_space<hbm>> -> memref<128x128xf32, #tpu.memory_space<hbm>>
        %dma_wait3A_483 = arith.constant 0 : i32
        %dma_wait3A_484 = arith.constant 0 : i32
        %dma_wait3A_485 = tpu.memref_slice %arg6[%dma_wait3A_471, %dma_wait3A_483, %dma_wait3A_484] : memref<4x128x128xf32, #tpu.memory_space<vmem>> -> memref<1x128x128xf32, #tpu.memory_space<vmem>>
        %dma_wait3A_486 = tpu.memref_squeeze %dma_wait3A_485 : memref<1x128x128xf32, #tpu.memory_space<vmem>> -> memref<128x128xf32, #tpu.memory_space<vmem>>
        tpu.wait_dma2 semaphore(%dma_wait3A_480 : memref<!tpu.dma_semaphore, #tpu.memory_space<semaphore_mem>>) src(%dma_wait3A_486 : memref<128x128xf32, #tpu.memory_space<vmem>>) dst(%dma_wait3A_482 : memref<128x128xf32, #tpu.memory_space<hbm>>)
      } else {
      }
      %dma_start3A_360 = arith.constant 2 : i32
      %dma_start3A_361 = arith.constant 2 : i32
      %dma_start3A_362 = arith.constant 2 : i32
      %dma_start3A_363 = arith.constant 0 : i32
      %dma_start3A_364 = arith.constant 0 : i32
      %dma_start3A_365 = tpu.memref_slice %arg6[%dma_start3A_361, %dma_start3A_363, %dma_start3A_364] : memref<4x128x128xf32, #tpu.memory_space<vmem>> -> memref<1x128x128xf32, #tpu.memory_space<vmem>>
      %dma_start3A_366 = tpu.memref_squeeze %dma_start3A_365 : memref<1x128x128xf32, #tpu.memory_space<vmem>> -> memref<128x128xf32, #tpu.memory_space<vmem>>
      %dma_start3A_367 = arith.constant 0 : i32
      %dma_start3A_368 = arith.constant 0 : i32
      %dma_start3A_369 = tpu.memref_slice %arg5[%rem3A_268, %dma_start3A_367, %dma_start3A_368] : memref<2x32x128xi32, #tpu.memory_space<vmem>> -> memref<1x32x128xi32, #tpu.memory_space<vmem>>
      %dma_start3A_370 = tpu.memref_squeeze %dma_start3A_369 : memref<1x32x128xi32, #tpu.memory_space<vmem>> -> memref<32x128xi32, #tpu.memory_space<vmem>>
      %dma_start3A_371 = arith.constant 0 : i32
      %dma_start3A_372 = tpu.memref_slice %dma_start3A_370[%dma_start3A_360, %dma_start3A_371] : memref<32x128xi32, #tpu.memory_space<vmem>> -> memref<1x128xi32, #tpu.memory_space<vmem>>
      %dma_start3A_373 = tpu.memref_squeeze %dma_start3A_372 : memref<1x128xi32, #tpu.memory_space<vmem>> -> memref<128xi32, #tpu.memory_space<vmem>>
      %dma_start3A_374 = arith.constant 0 : i32
      %dma_start3A_375 = arith.constant 0 : i32
      %dma_start3A_376 = tpu.memref_slice %arg10[%arg1, %dma_start3A_374, %dma_start3A_375] : memref<16x4x128xf32, #tpu.memory_space<vmem_shared>> -> memref<1x4x128xf32, #tpu.memory_space<vmem_shared>>
      %dma_start3A_377 = tpu.memref_squeeze %dma_start3A_376 : memref<1x4x128xf32, #tpu.memory_space<vmem_shared>> -> memref<4x128xf32, #tpu.memory_space<vmem_shared>>
      %dma_start3A_378 = arith.constant 0 : i32
      %dma_start3A_379 = arith.constant 0 : i32
      %dma_start3A_380 = tpu.memref_slice %dma_start3A_377[%dma_start3A_378, %dma_start3A_379] : memref<4x128xf32, #tpu.memory_space<vmem_shared>> -> memref<4x128xf32, #tpu.memory_space<vmem_shared>>
      %dma_start3A_381 = tpu.memref_slice %arg7[%dma_start3A_362] : memref<4x!tpu.dma_semaphore, #tpu.memory_space<semaphore_mem>> -> memref<1x!tpu.dma_semaphore, #tpu.memory_space<semaphore_mem>>
      %dma_start3A_382 = tpu.memref_squeeze %dma_start3A_381 : memref<1x!tpu.dma_semaphore, #tpu.memory_space<semaphore_mem>> -> memref<!tpu.dma_semaphore, #tpu.memory_space<semaphore_mem>>
      tpu.enqueue_indirect_dma source(%dma_start3A_380 : memref<4x128xf32, #tpu.memory_space<vmem_shared>>) target(%dma_start3A_366 : memref<128x128xf32, #tpu.memory_space<vmem>>) offsets(%dma_start3A_373 : memref<128xi32, #tpu.memory_space<vmem>>) semaphore(%dma_start3A_382 : memref<!tpu.dma_semaphore, #tpu.memory_space<semaphore_mem>>)
      %mul3A_383 = arith.constant 32 : i32
      %mul3A_384 = arith.muli %scan3A_267, %mul3A_383 : i32
      %add3A_385 = arith.constant 3 : i32
      %add3A_386 = arith.addi %mul3A_384, %add3A_385 : i32
      %add3A_387 = arith.addi %mul3A_2, %add3A_386 : i32
      %ge3A_388 = arith.constant 4 : i32
      %ge3A_389 = arith.cmpi sge, %add3A_386, %ge3A_388 : i32
      %convert_element_type3A_390 = arith.extui %ge3A_389 : i1 to i32
      %cond3A_391 = arith.constant 0 : i32
      %cond3A_392 = arith.cmpi ne, %convert_element_type3A_390, %cond3A_391 : i32
      scf.if %cond3A_392 {
        %sub3A = arith.constant 4 : i32
        %sub3A_427 = arith.subi %add3A_387, %sub3A : i32
        %mul3A_428 = arith.constant 128 : i32
        %mul3A_429 = arith.muli %sub3A_427, %mul3A_428 : i32
        %multiple_of3A_430 = tpu.assume_multiple %mul3A_429, 128 : i32
        %dma_wait3A_431 = arith.constant 0 : i32
        %dma_wait3A_432 = arith.constant 0 : i32
        %dma_wait3A_433 = arith.constant 3 : i32
        %dma_wait3A_434 = arith.constant 3 : i32
        %dma_wait3A_435 = arith.constant 0 : i32
        %dma_wait3A_436 = arith.constant 0 : i32
        %dma_wait3A_437 = tpu.memref_slice %arg6[%dma_wait3A_433, %dma_wait3A_435, %dma_wait3A_436] : memref<4x128x128xf32, #tpu.memory_space<vmem>> -> memref<1x128x128xf32, #tpu.memory_space<vmem>>
        %dma_wait3A_438 = tpu.memref_squeeze %dma_wait3A_437 : memref<1x128x128xf32, #tpu.memory_space<vmem>> -> memref<128x128xf32, #tpu.memory_space<vmem>>
        %dma_wait3A_439 = arith.constant 0 : i32
        %dma_wait3A_440 = arith.constant 0 : i32
        %dma_wait3A_441 = tpu.memref_slice %arg5[%dma_wait3A_431, %dma_wait3A_439, %dma_wait3A_440] : memref<2x32x128xi32, #tpu.memory_space<vmem>> -> memref<1x32x128xi32, #tpu.memory_space<vmem>>
        %dma_wait3A_442 = tpu.memref_squeeze %dma_wait3A_441 : memref<1x32x128xi32, #tpu.memory_space<vmem>> -> memref<32x128xi32, #tpu.memory_space<vmem>>
        %dma_wait3A_443 = arith.constant 0 : i32
        %dma_wait3A_444 = tpu.memref_slice %dma_wait3A_442[%dma_wait3A_432, %dma_wait3A_443] : memref<32x128xi32, #tpu.memory_space<vmem>> -> memref<1x128xi32, #tpu.memory_space<vmem>>
        %dma_wait3A_445 = tpu.memref_squeeze %dma_wait3A_444 : memref<1x128xi32, #tpu.memory_space<vmem>> -> memref<128xi32, #tpu.memory_space<vmem>>
        %dma_wait3A_446 = arith.constant 0 : i32
        %dma_wait3A_447 = arith.constant 0 : i32
        %dma_wait3A_448 = tpu.memref_slice %arg10[%arg1, %dma_wait3A_446, %dma_wait3A_447] : memref<16x4x128xf32, #tpu.memory_space<vmem_shared>> -> memref<1x4x128xf32, #tpu.memory_space<vmem_shared>>
        %dma_wait3A_449 = tpu.memref_squeeze %dma_wait3A_448 : memref<1x4x128xf32, #tpu.memory_space<vmem_shared>> -> memref<4x128xf32, #tpu.memory_space<vmem_shared>>
        %dma_wait3A_450 = arith.constant 0 : i32
        %dma_wait3A_451 = arith.constant 0 : i32
        %dma_wait3A_452 = tpu.memref_slice %dma_wait3A_449[%dma_wait3A_450, %dma_wait3A_451] : memref<4x128xf32, #tpu.memory_space<vmem_shared>> -> memref<4x128xf32, #tpu.memory_space<vmem_shared>>
        %dma_wait3A_453 = tpu.memref_slice %arg7[%dma_wait3A_434] : memref<4x!tpu.dma_semaphore, #tpu.memory_space<semaphore_mem>> -> memref<1x!tpu.dma_semaphore, #tpu.memory_space<semaphore_mem>>
        %dma_wait3A_454 = tpu.memref_squeeze %dma_wait3A_453 : memref<1x!tpu.dma_semaphore, #tpu.memory_space<semaphore_mem>> -> memref<!tpu.dma_semaphore, #tpu.memory_space<semaphore_mem>>
        tpu.wait_indirect_dma semaphore(%dma_wait3A_454 : memref<!tpu.dma_semaphore, #tpu.memory_space<semaphore_mem>>) src(%dma_wait3A_452 : memref<4x128xf32, #tpu.memory_space<vmem_shared>>) dst(%dma_wait3A_438 : memref<128x128xf32, #tpu.memory_space<vmem>>)
        %dma_start3A_455 = arith.constant 3 : i32
        %dma_start3A_456 = arith.constant 3 : i32
        %dma_start3A_457 = arith.constant 0 : i32
        %dma_start3A_458 = arith.constant 0 : i32
        %dma_start3A_459 = tpu.memref_slice %arg6[%dma_start3A_455, %dma_start3A_457, %dma_start3A_458] : memref<4x128x128xf32, #tpu.memory_space<vmem>> -> memref<1x128x128xf32, #tpu.memory_space<vmem>>
        %dma_start3A_460 = tpu.memref_squeeze %dma_start3A_459 : memref<1x128x128xf32, #tpu.memory_space<vmem>> -> memref<128x128xf32, #tpu.memory_space<vmem>>
        %dma_start3A_461 = arith.constant 0 : i32
        %dma_start3A_462 = tpu.memref_slice %arg4[%multiple_of3A_430, %dma_start3A_461] : memref<2097152x128xf32, #tpu.memory_space<hbm>> -> memref<128x128xf32, #tpu.memory_space<hbm>>
        %dma_start3A_463 = tpu.memref_slice %arg8[%dma_start3A_456] : memref<4x!tpu.dma_semaphore, #tpu.memory_space<semaphore_mem>> -> memref<1x!tpu.dma_semaphore, #tpu.memory_space<semaphore_mem>>
        %dma_start3A_464 = tpu.memref_squeeze %dma_start3A_463 : memref<1x!tpu.dma_semaphore, #tpu.memory_space<semaphore_mem>> -> memref<!tpu.dma_semaphore, #tpu.memory_space<semaphore_mem>>
        %dma_start3A_465 = arith.constant 0 : i32
        %dma_start3A_466 = tpu.memref_slice %arg4[%multiple_of3A_430, %dma_start3A_465] : memref<2097152x128xf32, #tpu.memory_space<hbm>> -> memref<128x128xf32, #tpu.memory_space<hbm>>
        %dma_start3A_467 = arith.constant 0 : i32
        %dma_start3A_468 = arith.constant 0 : i32
        %dma_start3A_469 = tpu.memref_slice %arg6[%dma_start3A_455, %dma_start3A_467, %dma_start3A_468] : memref<4x128x128xf32, #tpu.memory_space<vmem>> -> memref<1x128x128xf32, #tpu.memory_space<vmem>>
        %dma_start3A_470 = tpu.memref_squeeze %dma_start3A_469 : memref<1x128x128xf32, #tpu.memory_space<vmem>> -> memref<128x128xf32, #tpu.memory_space<vmem>>
        tpu.enqueue_dma source(%dma_start3A_470 : memref<128x128xf32, #tpu.memory_space<vmem>>) target(%dma_start3A_466 : memref<128x128xf32, #tpu.memory_space<hbm>>) target_semaphore(%dma_start3A_464 : memref<!tpu.dma_semaphore, #tpu.memory_space<semaphore_mem>>)
        %dma_wait3A_471 = arith.constant 3 : i32
        %dma_wait3A_472 = arith.constant 3 : i32
        %dma_wait3A_473 = arith.constant 0 : i32
        %dma_wait3A_474 = arith.constant 0 : i32
        %dma_wait3A_475 = tpu.memref_slice %arg6[%dma_wait3A_471, %dma_wait3A_473, %dma_wait3A_474] : memref<4x128x128xf32, #tpu.memory_space<vmem>> -> memref<1x128x128xf32, #tpu.memory_space<vmem>>
        %dma_wait3A_476 = tpu.memref_squeeze %dma_wait3A_475 : memref<1x128x128xf32, #tpu.memory_space<vmem>> -> memref<128x128xf32, #tpu.memory_space<vmem>>
        %dma_wait3A_477 = arith.constant 0 : i32
        %dma_wait3A_478 = tpu.memref_slice %arg4[%multiple_of3A_430, %dma_wait3A_477] : memref<2097152x128xf32, #tpu.memory_space<hbm>> -> memref<128x128xf32, #tpu.memory_space<hbm>>
        %dma_wait3A_479 = tpu.memref_slice %arg8[%dma_wait3A_472] : memref<4x!tpu.dma_semaphore, #tpu.memory_space<semaphore_mem>> -> memref<1x!tpu.dma_semaphore, #tpu.memory_space<semaphore_mem>>
        %dma_wait3A_480 = tpu.memref_squeeze %dma_wait3A_479 : memref<1x!tpu.dma_semaphore, #tpu.memory_space<semaphore_mem>> -> memref<!tpu.dma_semaphore, #tpu.memory_space<semaphore_mem>>
        %dma_wait3A_481 = arith.constant 0 : i32
        %dma_wait3A_482 = tpu.memref_slice %arg4[%multiple_of3A_430, %dma_wait3A_481] : memref<2097152x128xf32, #tpu.memory_space<hbm>> -> memref<128x128xf32, #tpu.memory_space<hbm>>
        %dma_wait3A_483 = arith.constant 0 : i32
        %dma_wait3A_484 = arith.constant 0 : i32
        %dma_wait3A_485 = tpu.memref_slice %arg6[%dma_wait3A_471, %dma_wait3A_483, %dma_wait3A_484] : memref<4x128x128xf32, #tpu.memory_space<vmem>> -> memref<1x128x128xf32, #tpu.memory_space<vmem>>
        %dma_wait3A_486 = tpu.memref_squeeze %dma_wait3A_485 : memref<1x128x128xf32, #tpu.memory_space<vmem>> -> memref<128x128xf32, #tpu.memory_space<vmem>>
        tpu.wait_dma2 semaphore(%dma_wait3A_480 : memref<!tpu.dma_semaphore, #tpu.memory_space<semaphore_mem>>) src(%dma_wait3A_486 : memref<128x128xf32, #tpu.memory_space<vmem>>) dst(%dma_wait3A_482 : memref<128x128xf32, #tpu.memory_space<hbm>>)
      } else {
      }
      %dma_start3A_393 = arith.constant 3 : i32
      %dma_start3A_394 = arith.constant 3 : i32
      %dma_start3A_395 = arith.constant 3 : i32
      %dma_start3A_396 = arith.constant 0 : i32
      %dma_start3A_397 = arith.constant 0 : i32
      %dma_start3A_398 = tpu.memref_slice %arg6[%dma_start3A_394, %dma_start3A_396, %dma_start3A_397] : memref<4x128x128xf32, #tpu.memory_space<vmem>> -> memref<1x128x128xf32, #tpu.memory_space<vmem>>
      %dma_start3A_399 = tpu.memref_squeeze %dma_start3A_398 : memref<1x128x128xf32, #tpu.memory_space<vmem>> -> memref<128x128xf32, #tpu.memory_space<vmem>>
      %dma_start3A_400 = arith.constant 0 : i32
      %dma_start3A_401 = arith.constant 0 : i32
      %dma_start3A_402 = tpu.memref_slice %arg5[%rem3A_268, %dma_start3A_400, %dma_start3A_401] : memref<2x32x128xi32, #tpu.memory_space<vmem>> -> memref<1x32x128xi32, #tpu.memory_space<vmem>>
      %dma_start3A_403 = tpu.memref_squeeze %dma_start3A_402 : memref<1x32x128xi32, #tpu.memory_space<vmem>> -> memref<32x128xi32, #tpu.memory_space<vmem>>
      %dma_start3A_404 = arith.constant 0 : i32
      %dma_start3A_405 = tpu.memref_slice %dma_start3A_403[%dma_start3A_393, %dma_start3A_404] : memref<32x128xi32, #tpu.memory_space<vmem>> -> memref<1x128xi32, #tpu.memory_space<vmem>>
      %dma_start3A_406 = tpu.memref_squeeze %dma_start3A_405 : memref<1x128xi32, #tpu.memory_space<vmem>> -> memref<128xi32, #tpu.memory_space<vmem>>
      %dma_start3A_407 = arith.constant 0 : i32
      %dma_start3A_408 = arith.constant 0 : i32
      %dma_start3A_409 = tpu.memref_slice %arg10[%arg1, %dma_start3A_407, %dma_start3A_408] : memref<16x4x128xf32, #tpu.memory_space<vmem_shared>> -> memref<1x4x128xf32, #tpu.memory_space<vmem_shared>>
      %dma_start3A_410 = tpu.memref_squeeze %dma_start3A_409 : memref<1x4x128xf32, #tpu.memory_space<vmem_shared>> -> memref<4x128xf32, #tpu.memory_space<vmem_shared>>
      %dma_start3A_411 = arith.constant 0 : i32
      %dma_start3A_412 = arith.constant 0 : i32
      %dma_start3A_413 = tpu.memref_slice %dma_start3A_410[%dma_start3A_411, %dma_start3A_412] : memref<4x128xf32, #tpu.memory_space<vmem_shared>> -> memref<4x128xf32, #tpu.memory_space<vmem_shared>>
      %dma_start3A_414 = tpu.memref_slice %arg7[%dma_start3A_395] : memref<4x!tpu.dma_semaphore, #tpu.memory_space<semaphore_mem>> -> memref<1x!tpu.dma_semaphore, #tpu.memory_space<semaphore_mem>>
      %dma_start3A_415 = tpu.memref_squeeze %dma_start3A_414 : memref<1x!tpu.dma_semaphore, #tpu.memory_space<semaphore_mem>> -> memref<!tpu.dma_semaphore, #tpu.memory_space<semaphore_mem>>
      tpu.enqueue_indirect_dma source(%dma_start3A_413 : memref<4x128xf32, #tpu.memory_space<vmem_shared>>) target(%dma_start3A_399 : memref<128x128xf32, #tpu.memory_space<vmem>>) offsets(%dma_start3A_406 : memref<128xi32, #tpu.memory_space<vmem>>) semaphore(%dma_start3A_415 : memref<!tpu.dma_semaphore, #tpu.memory_space<semaphore_mem>>)
      %add3A_416 = arith.constant 1 : i32
      %add3A_417 = arith.addi %scan3A_267, %add3A_416 : i32
      %lt3A = arith.constant 16 : i32
      %lt3A_418 = arith.cmpi slt, %add3A_417, %lt3A : i32
      %convert_element_type3A_419 = arith.extui %lt3A_418 : i1 to i32
      %cond3A_420 = arith.constant 0 : i32
      %cond3A_421 = arith.cmpi ne, %convert_element_type3A_419, %cond3A_420 : i32
      scf.if %cond3A_421 {
        %add3A_427 = arith.constant 1 : i32
        %add3A_428 = arith.addi %scan3A_267, %add3A_427 : i32
        %sub3A = arith.constant 1 : i32
        %sub3A_429 = arith.subi %sub3A, %rem3A_268 : i32
        %mul3A_430 = arith.constant 32 : i32
        %mul3A_431 = arith.muli %add3A_428, %mul3A_430 : i32
        %add3A_432 = arith.addi %mul3A_2, %mul3A_431 : i32
        %multiple_of3A_433 = tpu.assume_multiple %add3A_432, 32 : i32
        %dma_start3A_434 = arith.constant 0 : i32
        %dma_start3A_435 = arith.constant 0 : i32
        %dma_start3A_436 = tpu.memref_slice %arg5[%sub3A_429, %dma_start3A_434, %dma_start3A_435] : memref<2x32x128xi32, #tpu.memory_space<vmem>> -> memref<1x32x128xi32, #tpu.memory_space<vmem>>
        %dma_start3A_437 = tpu.memref_squeeze %dma_start3A_436 : memref<1x32x128xi32, #tpu.memory_space<vmem>> -> memref<32x128xi32, #tpu.memory_space<vmem>>
        %dma_start3A_438 = arith.constant 0 : i32
        %dma_start3A_439 = tpu.memref_slice %arg2[%multiple_of3A_433, %dma_start3A_438] : memref<16384x128xi32, #tpu.memory_space<hbm>> -> memref<32x128xi32, #tpu.memory_space<hbm>>
        %dma_start3A_440 = tpu.memref_slice %arg9[%sub3A_429] : memref<2x!tpu.dma_semaphore, #tpu.memory_space<semaphore_mem>> -> memref<1x!tpu.dma_semaphore, #tpu.memory_space<semaphore_mem>>
        %dma_start3A_441 = tpu.memref_squeeze %dma_start3A_440 : memref<1x!tpu.dma_semaphore, #tpu.memory_space<semaphore_mem>> -> memref<!tpu.dma_semaphore, #tpu.memory_space<semaphore_mem>>
        %dma_start3A_442 = arith.constant 0 : i32
        %dma_start3A_443 = arith.constant 0 : i32
        %dma_start3A_444 = tpu.memref_slice %arg5[%sub3A_429, %dma_start3A_442, %dma_start3A_443] : memref<2x32x128xi32, #tpu.memory_space<vmem>> -> memref<1x32x128xi32, #tpu.memory_space<vmem>>
        %dma_start3A_445 = tpu.memref_squeeze %dma_start3A_444 : memref<1x32x128xi32, #tpu.memory_space<vmem>> -> memref<32x128xi32, #tpu.memory_space<vmem>>
        %dma_start3A_446 = arith.constant 0 : i32
        %dma_start3A_447 = tpu.memref_slice %arg2[%multiple_of3A_433, %dma_start3A_446] : memref<16384x128xi32, #tpu.memory_space<hbm>> -> memref<32x128xi32, #tpu.memory_space<hbm>>
        tpu.enqueue_dma source(%dma_start3A_447 : memref<32x128xi32, #tpu.memory_space<hbm>>) target(%dma_start3A_445 : memref<32x128xi32, #tpu.memory_space<vmem>>) target_semaphore(%dma_start3A_441 : memref<!tpu.dma_semaphore, #tpu.memory_space<semaphore_mem>>)
      } else {
      }
      %scan3A_422 = arith.constant 1 : i32
      %scan3A_423 = arith.constant 7 : i32
      %scan3A_424 = arith.addi %scan3A_422, %scan3A_423 : i32
      %scan3A_425 = arith.constant 1 : i32
      scf.for %scan3A_427 = %scan3A_422 to %scan3A_424 step %scan3A_425  : i32 {
        %mul3A_428 = arith.constant 4 : i32
        %mul3A_429 = arith.muli %scan3A_427, %mul3A_428 : i32
        %add3A_430 = arith.constant 0 : i32
        %add3A_431 = arith.addi %mul3A_429, %add3A_430 : i32
        %mul3A_432 = arith.constant 32 : i32
        %mul3A_433 = arith.muli %scan3A_267, %mul3A_432 : i32
        %add3A_434 = arith.addi %mul3A_433, %add3A_431 : i32
        %add3A_435 = arith.addi %mul3A_2, %add3A_434 : i32
        %ge3A_436 = arith.constant 4 : i32
        %ge3A_437 = arith.cmpi sge, %add3A_434, %ge3A_436 : i32
        %convert_element_type3A_438 = arith.extui %ge3A_437 : i1 to i32
        %cond3A_439 = arith.constant 0 : i32
        %cond3A_440 = arith.cmpi ne, %convert_element_type3A_438, %cond3A_439 : i32
        scf.if %cond3A_440 {
          %sub3A = arith.constant 4 : i32
          %sub3A_568 = arith.subi %add3A_435, %sub3A : i32
          %mul3A_569 = arith.constant 128 : i32
          %mul3A_570 = arith.muli %sub3A_568, %mul3A_569 : i32
          %multiple_of3A_571 = tpu.assume_multiple %mul3A_570, 128 : i32
          %dma_wait3A_572 = arith.constant 0 : i32
          %dma_wait3A_573 = arith.constant 0 : i32
          %dma_wait3A_574 = arith.constant 0 : i32
          %dma_wait3A_575 = arith.constant 0 : i32
          %dma_wait3A_576 = arith.constant 0 : i32
          %dma_wait3A_577 = arith.constant 0 : i32
          %dma_wait3A_578 = tpu.memref_slice %arg6[%dma_wait3A_574, %dma_wait3A_576, %dma_wait3A_577] : memref<4x128x128xf32, #tpu.memory_space<vmem>> -> memref<1x128x128xf32, #tpu.memory_space<vmem>>
          %dma_wait3A_579 = tpu.memref_squeeze %dma_wait3A_578 : memref<1x128x128xf32, #tpu.memory_space<vmem>> -> memref<128x128xf32, #tpu.memory_space<vmem>>
          %dma_wait3A_580 = arith.constant 0 : i32
          %dma_wait3A_581 = arith.constant 0 : i32
          %dma_wait3A_582 = tpu.memref_slice %arg5[%dma_wait3A_572, %dma_wait3A_580, %dma_wait3A_581] : memref<2x32x128xi32, #tpu.memory_space<vmem>> -> memref<1x32x128xi32, #tpu.memory_space<vmem>>
          %dma_wait3A_583 = tpu.memref_squeeze %dma_wait3A_582 : memref<1x32x128xi32, #tpu.memory_space<vmem>> -> memref<32x128xi32, #tpu.memory_space<vmem>>
          %dma_wait3A_584 = arith.constant 0 : i32
          %dma_wait3A_585 = tpu.memref_slice %dma_wait3A_583[%dma_wait3A_573, %dma_wait3A_584] : memref<32x128xi32, #tpu.memory_space<vmem>> -> memref<1x128xi32, #tpu.memory_space<vmem>>
          %dma_wait3A_586 = tpu.memref_squeeze %dma_wait3A_585 : memref<1x128xi32, #tpu.memory_space<vmem>> -> memref<128xi32, #tpu.memory_space<vmem>>
          %dma_wait3A_587 = arith.constant 0 : i32
          %dma_wait3A_588 = arith.constant 0 : i32
          %dma_wait3A_589 = tpu.memref_slice %arg10[%arg1, %dma_wait3A_587, %dma_wait3A_588] : memref<16x4x128xf32, #tpu.memory_space<vmem_shared>> -> memref<1x4x128xf32, #tpu.memory_space<vmem_shared>>
          %dma_wait3A_590 = tpu.memref_squeeze %dma_wait3A_589 : memref<1x4x128xf32, #tpu.memory_space<vmem_shared>> -> memref<4x128xf32, #tpu.memory_space<vmem_shared>>
          %dma_wait3A_591 = arith.constant 0 : i32
          %dma_wait3A_592 = arith.constant 0 : i32
          %dma_wait3A_593 = tpu.memref_slice %dma_wait3A_590[%dma_wait3A_591, %dma_wait3A_592] : memref<4x128xf32, #tpu.memory_space<vmem_shared>> -> memref<4x128xf32, #tpu.memory_space<vmem_shared>>
          %dma_wait3A_594 = tpu.memref_slice %arg7[%dma_wait3A_575] : memref<4x!tpu.dma_semaphore, #tpu.memory_space<semaphore_mem>> -> memref<1x!tpu.dma_semaphore, #tpu.memory_space<semaphore_mem>>
          %dma_wait3A_595 = tpu.memref_squeeze %dma_wait3A_594 : memref<1x!tpu.dma_semaphore, #tpu.memory_space<semaphore_mem>> -> memref<!tpu.dma_semaphore, #tpu.memory_space<semaphore_mem>>
          tpu.wait_indirect_dma semaphore(%dma_wait3A_595 : memref<!tpu.dma_semaphore, #tpu.memory_space<semaphore_mem>>) src(%dma_wait3A_593 : memref<4x128xf32, #tpu.memory_space<vmem_shared>>) dst(%dma_wait3A_579 : memref<128x128xf32, #tpu.memory_space<vmem>>)
          %dma_start3A_596 = arith.constant 0 : i32
          %dma_start3A_597 = arith.constant 0 : i32
          %dma_start3A_598 = arith.constant 0 : i32
          %dma_start3A_599 = arith.constant 0 : i32
          %dma_start3A_600 = tpu.memref_slice %arg6[%dma_start3A_596, %dma_start3A_598, %dma_start3A_599] : memref<4x128x128xf32, #tpu.memory_space<vmem>> -> memref<1x128x128xf32, #tpu.memory_space<vmem>>
          %dma_start3A_601 = tpu.memref_squeeze %dma_start3A_600 : memref<1x128x128xf32, #tpu.memory_space<vmem>> -> memref<128x128xf32, #tpu.memory_space<vmem>>
          %dma_start3A_602 = arith.constant 0 : i32
          %dma_start3A_603 = tpu.memref_slice %arg4[%multiple_of3A_571, %dma_start3A_602] : memref<2097152x128xf32, #tpu.memory_space<hbm>> -> memref<128x128xf32, #tpu.memory_space<hbm>>
          %dma_start3A_604 = tpu.memref_slice %arg8[%dma_start3A_597] : memref<4x!tpu.dma_semaphore, #tpu.memory_space<semaphore_mem>> -> memref<1x!tpu.dma_semaphore, #tpu.memory_space<semaphore_mem>>
          %dma_start3A_605 = tpu.memref_squeeze %dma_start3A_604 : memref<1x!tpu.dma_semaphore, #tpu.memory_space<semaphore_mem>> -> memref<!tpu.dma_semaphore, #tpu.memory_space<semaphore_mem>>
          %dma_start3A_606 = arith.constant 0 : i32
          %dma_start3A_607 = tpu.memref_slice %arg4[%multiple_of3A_571, %dma_start3A_606] : memref<2097152x128xf32, #tpu.memory_space<hbm>> -> memref<128x128xf32, #tpu.memory_space<hbm>>
          %dma_start3A_608 = arith.constant 0 : i32
          %dma_start3A_609 = arith.constant 0 : i32
          %dma_start3A_610 = tpu.memref_slice %arg6[%dma_start3A_596, %dma_start3A_608, %dma_start3A_609] : memref<4x128x128xf32, #tpu.memory_space<vmem>> -> memref<1x128x128xf32, #tpu.memory_space<vmem>>
          %dma_start3A_611 = tpu.memref_squeeze %dma_start3A_610 : memref<1x128x128xf32, #tpu.memory_space<vmem>> -> memref<128x128xf32, #tpu.memory_space<vmem>>
          tpu.enqueue_dma source(%dma_start3A_611 : memref<128x128xf32, #tpu.memory_space<vmem>>) target(%dma_start3A_607 : memref<128x128xf32, #tpu.memory_space<hbm>>) target_semaphore(%dma_start3A_605 : memref<!tpu.dma_semaphore, #tpu.memory_space<semaphore_mem>>)
          %dma_wait3A_612 = arith.constant 0 : i32
          %dma_wait3A_613 = arith.constant 0 : i32
          %dma_wait3A_614 = arith.constant 0 : i32
          %dma_wait3A_615 = arith.constant 0 : i32
          %dma_wait3A_616 = tpu.memref_slice %arg6[%dma_wait3A_612, %dma_wait3A_614, %dma_wait3A_615] : memref<4x128x128xf32, #tpu.memory_space<vmem>> -> memref<1x128x128xf32, #tpu.memory_space<vmem>>
          %dma_wait3A_617 = tpu.memref_squeeze %dma_wait3A_616 : memref<1x128x128xf32, #tpu.memory_space<vmem>> -> memref<128x128xf32, #tpu.memory_space<vmem>>
          %dma_wait3A_618 = arith.constant 0 : i32
          %dma_wait3A_619 = tpu.memref_slice %arg4[%multiple_of3A_571, %dma_wait3A_618] : memref<2097152x128xf32, #tpu.memory_space<hbm>> -> memref<128x128xf32, #tpu.memory_space<hbm>>
          %dma_wait3A_620 = tpu.memref_slice %arg8[%dma_wait3A_613] : memref<4x!tpu.dma_semaphore, #tpu.memory_space<semaphore_mem>> -> memref<1x!tpu.dma_semaphore, #tpu.memory_space<semaphore_mem>>
          %dma_wait3A_621 = tpu.memref_squeeze %dma_wait3A_620 : memref<1x!tpu.dma_semaphore, #tpu.memory_space<semaphore_mem>> -> memref<!tpu.dma_semaphore, #tpu.memory_space<semaphore_mem>>
          %dma_wait3A_622 = arith.constant 0 : i32
          %dma_wait3A_623 = tpu.memref_slice %arg4[%multiple_of3A_571, %dma_wait3A_622] : memref<2097152x128xf32, #tpu.memory_space<hbm>> -> memref<128x128xf32, #tpu.memory_space<hbm>>
          %dma_wait3A_624 = arith.constant 0 : i32
          %dma_wait3A_625 = arith.constant 0 : i32
          %dma_wait3A_626 = tpu.memref_slice %arg6[%dma_wait3A_612, %dma_wait3A_624, %dma_wait3A_625] : memref<4x128x128xf32, #tpu.memory_space<vmem>> -> memref<1x128x128xf32, #tpu.memory_space<vmem>>
          %dma_wait3A_627 = tpu.memref_squeeze %dma_wait3A_626 : memref<1x128x128xf32, #tpu.memory_space<vmem>> -> memref<128x128xf32, #tpu.memory_space<vmem>>
          tpu.wait_dma2 semaphore(%dma_wait3A_621 : memref<!tpu.dma_semaphore, #tpu.memory_space<semaphore_mem>>) src(%dma_wait3A_627 : memref<128x128xf32, #tpu.memory_space<vmem>>) dst(%dma_wait3A_623 : memref<128x128xf32, #tpu.memory_space<hbm>>)
        } else {
        }
        %dma_start3A_441 = arith.constant 0 : i32
        %dma_start3A_442 = arith.constant 0 : i32
        %dma_start3A_443 = arith.constant 0 : i32
        %dma_start3A_444 = arith.constant 0 : i32
        %dma_start3A_445 = tpu.memref_slice %arg6[%dma_start3A_441, %dma_start3A_443, %dma_start3A_444] : memref<4x128x128xf32, #tpu.memory_space<vmem>> -> memref<1x128x128xf32, #tpu.memory_space<vmem>>
        %dma_start3A_446 = tpu.memref_squeeze %dma_start3A_445 : memref<1x128x128xf32, #tpu.memory_space<vmem>> -> memref<128x128xf32, #tpu.memory_space<vmem>>
        %dma_start3A_447 = arith.constant 0 : i32
        %dma_start3A_448 = arith.constant 0 : i32
        %dma_start3A_449 = tpu.memref_slice %arg5[%rem3A_268, %dma_start3A_447, %dma_start3A_448] : memref<2x32x128xi32, #tpu.memory_space<vmem>> -> memref<1x32x128xi32, #tpu.memory_space<vmem>>
        %dma_start3A_450 = tpu.memref_squeeze %dma_start3A_449 : memref<1x32x128xi32, #tpu.memory_space<vmem>> -> memref<32x128xi32, #tpu.memory_space<vmem>>
        %dma_start3A_451 = arith.constant 0 : i32
        %dma_start3A_452 = tpu.memref_slice %dma_start3A_450[%add3A_431, %dma_start3A_451] : memref<32x128xi32, #tpu.memory_space<vmem>> -> memref<1x128xi32, #tpu.memory_space<vmem>>
        %dma_start3A_453 = tpu.memref_squeeze %dma_start3A_452 : memref<1x128xi32, #tpu.memory_space<vmem>> -> memref<128xi32, #tpu.memory_space<vmem>>
        %dma_start3A_454 = arith.constant 0 : i32
        %dma_start3A_455 = arith.constant 0 : i32
        %dma_start3A_456 = tpu.memref_slice %arg10[%arg1, %dma_start3A_454, %dma_start3A_455] : memref<16x4x128xf32, #tpu.memory_space<vmem_shared>> -> memref<1x4x128xf32, #tpu.memory_space<vmem_shared>>
        %dma_start3A_457 = tpu.memref_squeeze %dma_start3A_456 : memref<1x4x128xf32, #tpu.memory_space<vmem_shared>> -> memref<4x128xf32, #tpu.memory_space<vmem_shared>>
        %dma_start3A_458 = arith.constant 0 : i32
        %dma_start3A_459 = arith.constant 0 : i32
        %dma_start3A_460 = tpu.memref_slice %dma_start3A_457[%dma_start3A_458, %dma_start3A_459] : memref<4x128xf32, #tpu.memory_space<vmem_shared>> -> memref<4x128xf32, #tpu.memory_space<vmem_shared>>
        %dma_start3A_461 = tpu.memref_slice %arg7[%dma_start3A_442] : memref<4x!tpu.dma_semaphore, #tpu.memory_space<semaphore_mem>> -> memref<1x!tpu.dma_semaphore, #tpu.memory_space<semaphore_mem>>
        %dma_start3A_462 = tpu.memref_squeeze %dma_start3A_461 : memref<1x!tpu.dma_semaphore, #tpu.memory_space<semaphore_mem>> -> memref<!tpu.dma_semaphore, #tpu.memory_space<semaphore_mem>>
        tpu.enqueue_indirect_dma source(%dma_start3A_460 : memref<4x128xf32, #tpu.memory_space<vmem_shared>>) target(%dma_start3A_446 : memref<128x128xf32, #tpu.memory_space<vmem>>) offsets(%dma_start3A_453 : memref<128xi32, #tpu.memory_space<vmem>>) semaphore(%dma_start3A_462 : memref<!tpu.dma_semaphore, #tpu.memory_space<semaphore_mem>>)
        %mul3A_463 = arith.constant 4 : i32
        %mul3A_464 = arith.muli %scan3A_427, %mul3A_463 : i32
        %add3A_465 = arith.constant 1 : i32
        %add3A_466 = arith.addi %mul3A_464, %add3A_465 : i32
        %mul3A_467 = arith.constant 32 : i32
        %mul3A_468 = arith.muli %scan3A_267, %mul3A_467 : i32
        %add3A_469 = arith.addi %mul3A_468, %add3A_466 : i32
        %add3A_470 = arith.addi %mul3A_2, %add3A_469 : i32
        %ge3A_471 = arith.constant 4 : i32
        %ge3A_472 = arith.cmpi sge, %add3A_469, %ge3A_471 : i32
        %convert_element_type3A_473 = arith.extui %ge3A_472 : i1 to i32
        %cond3A_474 = arith.constant 0 : i32
        %cond3A_475 = arith.cmpi ne, %convert_element_type3A_473, %cond3A_474 : i32
        scf.if %cond3A_475 {
          %sub3A = arith.constant 4 : i32
          %sub3A_568 = arith.subi %add3A_470, %sub3A : i32
          %mul3A_569 = arith.constant 128 : i32
          %mul3A_570 = arith.muli %sub3A_568, %mul3A_569 : i32
          %multiple_of3A_571 = tpu.assume_multiple %mul3A_570, 128 : i32
          %dma_wait3A_572 = arith.constant 0 : i32
          %dma_wait3A_573 = arith.constant 0 : i32
          %dma_wait3A_574 = arith.constant 1 : i32
          %dma_wait3A_575 = arith.constant 1 : i32
          %dma_wait3A_576 = arith.constant 0 : i32
          %dma_wait3A_577 = arith.constant 0 : i32
          %dma_wait3A_578 = tpu.memref_slice %arg6[%dma_wait3A_574, %dma_wait3A_576, %dma_wait3A_577] : memref<4x128x128xf32, #tpu.memory_space<vmem>> -> memref<1x128x128xf32, #tpu.memory_space<vmem>>
          %dma_wait3A_579 = tpu.memref_squeeze %dma_wait3A_578 : memref<1x128x128xf32, #tpu.memory_space<vmem>> -> memref<128x128xf32, #tpu.memory_space<vmem>>
          %dma_wait3A_580 = arith.constant 0 : i32
          %dma_wait3A_581 = arith.constant 0 : i32
          %dma_wait3A_582 = tpu.memref_slice %arg5[%dma_wait3A_572, %dma_wait3A_580, %dma_wait3A_581] : memref<2x32x128xi32, #tpu.memory_space<vmem>> -> memref<1x32x128xi32, #tpu.memory_space<vmem>>
          %dma_wait3A_583 = tpu.memref_squeeze %dma_wait3A_582 : memref<1x32x128xi32, #tpu.memory_space<vmem>> -> memref<32x128xi32, #tpu.memory_space<vmem>>
          %dma_wait3A_584 = arith.constant 0 : i32
          %dma_wait3A_585 = tpu.memref_slice %dma_wait3A_583[%dma_wait3A_573, %dma_wait3A_584] : memref<32x128xi32, #tpu.memory_space<vmem>> -> memref<1x128xi32, #tpu.memory_space<vmem>>
          %dma_wait3A_586 = tpu.memref_squeeze %dma_wait3A_585 : memref<1x128xi32, #tpu.memory_space<vmem>> -> memref<128xi32, #tpu.memory_space<vmem>>
          %dma_wait3A_587 = arith.constant 0 : i32
          %dma_wait3A_588 = arith.constant 0 : i32
          %dma_wait3A_589 = tpu.memref_slice %arg10[%arg1, %dma_wait3A_587, %dma_wait3A_588] : memref<16x4x128xf32, #tpu.memory_space<vmem_shared>> -> memref<1x4x128xf32, #tpu.memory_space<vmem_shared>>
          %dma_wait3A_590 = tpu.memref_squeeze %dma_wait3A_589 : memref<1x4x128xf32, #tpu.memory_space<vmem_shared>> -> memref<4x128xf32, #tpu.memory_space<vmem_shared>>
          %dma_wait3A_591 = arith.constant 0 : i32
          %dma_wait3A_592 = arith.constant 0 : i32
          %dma_wait3A_593 = tpu.memref_slice %dma_wait3A_590[%dma_wait3A_591, %dma_wait3A_592] : memref<4x128xf32, #tpu.memory_space<vmem_shared>> -> memref<4x128xf32, #tpu.memory_space<vmem_shared>>
          %dma_wait3A_594 = tpu.memref_slice %arg7[%dma_wait3A_575] : memref<4x!tpu.dma_semaphore, #tpu.memory_space<semaphore_mem>> -> memref<1x!tpu.dma_semaphore, #tpu.memory_space<semaphore_mem>>
          %dma_wait3A_595 = tpu.memref_squeeze %dma_wait3A_594 : memref<1x!tpu.dma_semaphore, #tpu.memory_space<semaphore_mem>> -> memref<!tpu.dma_semaphore, #tpu.memory_space<semaphore_mem>>
          tpu.wait_indirect_dma semaphore(%dma_wait3A_595 : memref<!tpu.dma_semaphore, #tpu.memory_space<semaphore_mem>>) src(%dma_wait3A_593 : memref<4x128xf32, #tpu.memory_space<vmem_shared>>) dst(%dma_wait3A_579 : memref<128x128xf32, #tpu.memory_space<vmem>>)
          %dma_start3A_596 = arith.constant 1 : i32
          %dma_start3A_597 = arith.constant 1 : i32
          %dma_start3A_598 = arith.constant 0 : i32
          %dma_start3A_599 = arith.constant 0 : i32
          %dma_start3A_600 = tpu.memref_slice %arg6[%dma_start3A_596, %dma_start3A_598, %dma_start3A_599] : memref<4x128x128xf32, #tpu.memory_space<vmem>> -> memref<1x128x128xf32, #tpu.memory_space<vmem>>
          %dma_start3A_601 = tpu.memref_squeeze %dma_start3A_600 : memref<1x128x128xf32, #tpu.memory_space<vmem>> -> memref<128x128xf32, #tpu.memory_space<vmem>>
          %dma_start3A_602 = arith.constant 0 : i32
          %dma_start3A_603 = tpu.memref_slice %arg4[%multiple_of3A_571, %dma_start3A_602] : memref<2097152x128xf32, #tpu.memory_space<hbm>> -> memref<128x128xf32, #tpu.memory_space<hbm>>
          %dma_start3A_604 = tpu.memref_slice %arg8[%dma_start3A_597] : memref<4x!tpu.dma_semaphore, #tpu.memory_space<semaphore_mem>> -> memref<1x!tpu.dma_semaphore, #tpu.memory_space<semaphore_mem>>
          %dma_start3A_605 = tpu.memref_squeeze %dma_start3A_604 : memref<1x!tpu.dma_semaphore, #tpu.memory_space<semaphore_mem>> -> memref<!tpu.dma_semaphore, #tpu.memory_space<semaphore_mem>>
          %dma_start3A_606 = arith.constant 0 : i32
          %dma_start3A_607 = tpu.memref_slice %arg4[%multiple_of3A_571, %dma_start3A_606] : memref<2097152x128xf32, #tpu.memory_space<hbm>> -> memref<128x128xf32, #tpu.memory_space<hbm>>
          %dma_start3A_608 = arith.constant 0 : i32
          %dma_start3A_609 = arith.constant 0 : i32
          %dma_start3A_610 = tpu.memref_slice %arg6[%dma_start3A_596, %dma_start3A_608, %dma_start3A_609] : memref<4x128x128xf32, #tpu.memory_space<vmem>> -> memref<1x128x128xf32, #tpu.memory_space<vmem>>
          %dma_start3A_611 = tpu.memref_squeeze %dma_start3A_610 : memref<1x128x128xf32, #tpu.memory_space<vmem>> -> memref<128x128xf32, #tpu.memory_space<vmem>>
          tpu.enqueue_dma source(%dma_start3A_611 : memref<128x128xf32, #tpu.memory_space<vmem>>) target(%dma_start3A_607 : memref<128x128xf32, #tpu.memory_space<hbm>>) target_semaphore(%dma_start3A_605 : memref<!tpu.dma_semaphore, #tpu.memory_space<semaphore_mem>>)
          %dma_wait3A_612 = arith.constant 1 : i32
          %dma_wait3A_613 = arith.constant 1 : i32
          %dma_wait3A_614 = arith.constant 0 : i32
          %dma_wait3A_615 = arith.constant 0 : i32
          %dma_wait3A_616 = tpu.memref_slice %arg6[%dma_wait3A_612, %dma_wait3A_614, %dma_wait3A_615] : memref<4x128x128xf32, #tpu.memory_space<vmem>> -> memref<1x128x128xf32, #tpu.memory_space<vmem>>
          %dma_wait3A_617 = tpu.memref_squeeze %dma_wait3A_616 : memref<1x128x128xf32, #tpu.memory_space<vmem>> -> memref<128x128xf32, #tpu.memory_space<vmem>>
          %dma_wait3A_618 = arith.constant 0 : i32
          %dma_wait3A_619 = tpu.memref_slice %arg4[%multiple_of3A_571, %dma_wait3A_618] : memref<2097152x128xf32, #tpu.memory_space<hbm>> -> memref<128x128xf32, #tpu.memory_space<hbm>>
          %dma_wait3A_620 = tpu.memref_slice %arg8[%dma_wait3A_613] : memref<4x!tpu.dma_semaphore, #tpu.memory_space<semaphore_mem>> -> memref<1x!tpu.dma_semaphore, #tpu.memory_space<semaphore_mem>>
          %dma_wait3A_621 = tpu.memref_squeeze %dma_wait3A_620 : memref<1x!tpu.dma_semaphore, #tpu.memory_space<semaphore_mem>> -> memref<!tpu.dma_semaphore, #tpu.memory_space<semaphore_mem>>
          %dma_wait3A_622 = arith.constant 0 : i32
          %dma_wait3A_623 = tpu.memref_slice %arg4[%multiple_of3A_571, %dma_wait3A_622] : memref<2097152x128xf32, #tpu.memory_space<hbm>> -> memref<128x128xf32, #tpu.memory_space<hbm>>
          %dma_wait3A_624 = arith.constant 0 : i32
          %dma_wait3A_625 = arith.constant 0 : i32
          %dma_wait3A_626 = tpu.memref_slice %arg6[%dma_wait3A_612, %dma_wait3A_624, %dma_wait3A_625] : memref<4x128x128xf32, #tpu.memory_space<vmem>> -> memref<1x128x128xf32, #tpu.memory_space<vmem>>
          %dma_wait3A_627 = tpu.memref_squeeze %dma_wait3A_626 : memref<1x128x128xf32, #tpu.memory_space<vmem>> -> memref<128x128xf32, #tpu.memory_space<vmem>>
          tpu.wait_dma2 semaphore(%dma_wait3A_621 : memref<!tpu.dma_semaphore, #tpu.memory_space<semaphore_mem>>) src(%dma_wait3A_627 : memref<128x128xf32, #tpu.memory_space<vmem>>) dst(%dma_wait3A_623 : memref<128x128xf32, #tpu.memory_space<hbm>>)
        } else {
        }
        %dma_start3A_476 = arith.constant 1 : i32
        %dma_start3A_477 = arith.constant 1 : i32
        %dma_start3A_478 = arith.constant 0 : i32
        %dma_start3A_479 = arith.constant 0 : i32
        %dma_start3A_480 = tpu.memref_slice %arg6[%dma_start3A_476, %dma_start3A_478, %dma_start3A_479] : memref<4x128x128xf32, #tpu.memory_space<vmem>> -> memref<1x128x128xf32, #tpu.memory_space<vmem>>
        %dma_start3A_481 = tpu.memref_squeeze %dma_start3A_480 : memref<1x128x128xf32, #tpu.memory_space<vmem>> -> memref<128x128xf32, #tpu.memory_space<vmem>>
        %dma_start3A_482 = arith.constant 0 : i32
        %dma_start3A_483 = arith.constant 0 : i32
        %dma_start3A_484 = tpu.memref_slice %arg5[%rem3A_268, %dma_start3A_482, %dma_start3A_483] : memref<2x32x128xi32, #tpu.memory_space<vmem>> -> memref<1x32x128xi32, #tpu.memory_space<vmem>>
        %dma_start3A_485 = tpu.memref_squeeze %dma_start3A_484 : memref<1x32x128xi32, #tpu.memory_space<vmem>> -> memref<32x128xi32, #tpu.memory_space<vmem>>
        %dma_start3A_486 = arith.constant 0 : i32
        %dma_start3A_487 = tpu.memref_slice %dma_start3A_485[%add3A_466, %dma_start3A_486] : memref<32x128xi32, #tpu.memory_space<vmem>> -> memref<1x128xi32, #tpu.memory_space<vmem>>
        %dma_start3A_488 = tpu.memref_squeeze %dma_start3A_487 : memref<1x128xi32, #tpu.memory_space<vmem>> -> memref<128xi32, #tpu.memory_space<vmem>>
        %dma_start3A_489 = arith.constant 0 : i32
        %dma_start3A_490 = arith.constant 0 : i32
        %dma_start3A_491 = tpu.memref_slice %arg10[%arg1, %dma_start3A_489, %dma_start3A_490] : memref<16x4x128xf32, #tpu.memory_space<vmem_shared>> -> memref<1x4x128xf32, #tpu.memory_space<vmem_shared>>
        %dma_start3A_492 = tpu.memref_squeeze %dma_start3A_491 : memref<1x4x128xf32, #tpu.memory_space<vmem_shared>> -> memref<4x128xf32, #tpu.memory_space<vmem_shared>>
        %dma_start3A_493 = arith.constant 0 : i32
        %dma_start3A_494 = arith.constant 0 : i32
        %dma_start3A_495 = tpu.memref_slice %dma_start3A_492[%dma_start3A_493, %dma_start3A_494] : memref<4x128xf32, #tpu.memory_space<vmem_shared>> -> memref<4x128xf32, #tpu.memory_space<vmem_shared>>
        %dma_start3A_496 = tpu.memref_slice %arg7[%dma_start3A_477] : memref<4x!tpu.dma_semaphore, #tpu.memory_space<semaphore_mem>> -> memref<1x!tpu.dma_semaphore, #tpu.memory_space<semaphore_mem>>
        %dma_start3A_497 = tpu.memref_squeeze %dma_start3A_496 : memref<1x!tpu.dma_semaphore, #tpu.memory_space<semaphore_mem>> -> memref<!tpu.dma_semaphore, #tpu.memory_space<semaphore_mem>>
        tpu.enqueue_indirect_dma source(%dma_start3A_495 : memref<4x128xf32, #tpu.memory_space<vmem_shared>>) target(%dma_start3A_481 : memref<128x128xf32, #tpu.memory_space<vmem>>) offsets(%dma_start3A_488 : memref<128xi32, #tpu.memory_space<vmem>>) semaphore(%dma_start3A_497 : memref<!tpu.dma_semaphore, #tpu.memory_space<semaphore_mem>>)
        %mul3A_498 = arith.constant 4 : i32
        %mul3A_499 = arith.muli %scan3A_427, %mul3A_498 : i32
        %add3A_500 = arith.constant 2 : i32
        %add3A_501 = arith.addi %mul3A_499, %add3A_500 : i32
        %mul3A_502 = arith.constant 32 : i32
        %mul3A_503 = arith.muli %scan3A_267, %mul3A_502 : i32
        %add3A_504 = arith.addi %mul3A_503, %add3A_501 : i32
        %add3A_505 = arith.addi %mul3A_2, %add3A_504 : i32
        %ge3A_506 = arith.constant 4 : i32
        %ge3A_507 = arith.cmpi sge, %add3A_504, %ge3A_506 : i32
        %convert_element_type3A_508 = arith.extui %ge3A_507 : i1 to i32
        %cond3A_509 = arith.constant 0 : i32
        %cond3A_510 = arith.cmpi ne, %convert_element_type3A_508, %cond3A_509 : i32
        scf.if %cond3A_510 {
          %sub3A = arith.constant 4 : i32
          %sub3A_568 = arith.subi %add3A_505, %sub3A : i32
          %mul3A_569 = arith.constant 128 : i32
          %mul3A_570 = arith.muli %sub3A_568, %mul3A_569 : i32
          %multiple_of3A_571 = tpu.assume_multiple %mul3A_570, 128 : i32
          %dma_wait3A_572 = arith.constant 0 : i32
          %dma_wait3A_573 = arith.constant 0 : i32
          %dma_wait3A_574 = arith.constant 2 : i32
          %dma_wait3A_575 = arith.constant 2 : i32
          %dma_wait3A_576 = arith.constant 0 : i32
          %dma_wait3A_577 = arith.constant 0 : i32
          %dma_wait3A_578 = tpu.memref_slice %arg6[%dma_wait3A_574, %dma_wait3A_576, %dma_wait3A_577] : memref<4x128x128xf32, #tpu.memory_space<vmem>> -> memref<1x128x128xf32, #tpu.memory_space<vmem>>
          %dma_wait3A_579 = tpu.memref_squeeze %dma_wait3A_578 : memref<1x128x128xf32, #tpu.memory_space<vmem>> -> memref<128x128xf32, #tpu.memory_space<vmem>>
          %dma_wait3A_580 = arith.constant 0 : i32
          %dma_wait3A_581 = arith.constant 0 : i32
          %dma_wait3A_582 = tpu.memref_slice %arg5[%dma_wait3A_572, %dma_wait3A_580, %dma_wait3A_581] : memref<2x32x128xi32, #tpu.memory_space<vmem>> -> memref<1x32x128xi32, #tpu.memory_space<vmem>>
          %dma_wait3A_583 = tpu.memref_squeeze %dma_wait3A_582 : memref<1x32x128xi32, #tpu.memory_space<vmem>> -> memref<32x128xi32, #tpu.memory_space<vmem>>
          %dma_wait3A_584 = arith.constant 0 : i32
          %dma_wait3A_585 = tpu.memref_slice %dma_wait3A_583[%dma_wait3A_573, %dma_wait3A_584] : memref<32x128xi32, #tpu.memory_space<vmem>> -> memref<1x128xi32, #tpu.memory_space<vmem>>
          %dma_wait3A_586 = tpu.memref_squeeze %dma_wait3A_585 : memref<1x128xi32, #tpu.memory_space<vmem>> -> memref<128xi32, #tpu.memory_space<vmem>>
          %dma_wait3A_587 = arith.constant 0 : i32
          %dma_wait3A_588 = arith.constant 0 : i32
          %dma_wait3A_589 = tpu.memref_slice %arg10[%arg1, %dma_wait3A_587, %dma_wait3A_588] : memref<16x4x128xf32, #tpu.memory_space<vmem_shared>> -> memref<1x4x128xf32, #tpu.memory_space<vmem_shared>>
          %dma_wait3A_590 = tpu.memref_squeeze %dma_wait3A_589 : memref<1x4x128xf32, #tpu.memory_space<vmem_shared>> -> memref<4x128xf32, #tpu.memory_space<vmem_shared>>
          %dma_wait3A_591 = arith.constant 0 : i32
          %dma_wait3A_592 = arith.constant 0 : i32
          %dma_wait3A_593 = tpu.memref_slice %dma_wait3A_590[%dma_wait3A_591, %dma_wait3A_592] : memref<4x128xf32, #tpu.memory_space<vmem_shared>> -> memref<4x128xf32, #tpu.memory_space<vmem_shared>>
          %dma_wait3A_594 = tpu.memref_slice %arg7[%dma_wait3A_575] : memref<4x!tpu.dma_semaphore, #tpu.memory_space<semaphore_mem>> -> memref<1x!tpu.dma_semaphore, #tpu.memory_space<semaphore_mem>>
          %dma_wait3A_595 = tpu.memref_squeeze %dma_wait3A_594 : memref<1x!tpu.dma_semaphore, #tpu.memory_space<semaphore_mem>> -> memref<!tpu.dma_semaphore, #tpu.memory_space<semaphore_mem>>
          tpu.wait_indirect_dma semaphore(%dma_wait3A_595 : memref<!tpu.dma_semaphore, #tpu.memory_space<semaphore_mem>>) src(%dma_wait3A_593 : memref<4x128xf32, #tpu.memory_space<vmem_shared>>) dst(%dma_wait3A_579 : memref<128x128xf32, #tpu.memory_space<vmem>>)
          %dma_start3A_596 = arith.constant 2 : i32
          %dma_start3A_597 = arith.constant 2 : i32
          %dma_start3A_598 = arith.constant 0 : i32
          %dma_start3A_599 = arith.constant 0 : i32
          %dma_start3A_600 = tpu.memref_slice %arg6[%dma_start3A_596, %dma_start3A_598, %dma_start3A_599] : memref<4x128x128xf32, #tpu.memory_space<vmem>> -> memref<1x128x128xf32, #tpu.memory_space<vmem>>
          %dma_start3A_601 = tpu.memref_squeeze %dma_start3A_600 : memref<1x128x128xf32, #tpu.memory_space<vmem>> -> memref<128x128xf32, #tpu.memory_space<vmem>>
          %dma_start3A_602 = arith.constant 0 : i32
          %dma_start3A_603 = tpu.memref_slice %arg4[%multiple_of3A_571, %dma_start3A_602] : memref<2097152x128xf32, #tpu.memory_space<hbm>> -> memref<128x128xf32, #tpu.memory_space<hbm>>
          %dma_start3A_604 = tpu.memref_slice %arg8[%dma_start3A_597] : memref<4x!tpu.dma_semaphore, #tpu.memory_space<semaphore_mem>> -> memref<1x!tpu.dma_semaphore, #tpu.memory_space<semaphore_mem>>
          %dma_start3A_605 = tpu.memref_squeeze %dma_start3A_604 : memref<1x!tpu.dma_semaphore, #tpu.memory_space<semaphore_mem>> -> memref<!tpu.dma_semaphore, #tpu.memory_space<semaphore_mem>>
          %dma_start3A_606 = arith.constant 0 : i32
          %dma_start3A_607 = tpu.memref_slice %arg4[%multiple_of3A_571, %dma_start3A_606] : memref<2097152x128xf32, #tpu.memory_space<hbm>> -> memref<128x128xf32, #tpu.memory_space<hbm>>
          %dma_start3A_608 = arith.constant 0 : i32
          %dma_start3A_609 = arith.constant 0 : i32
          %dma_start3A_610 = tpu.memref_slice %arg6[%dma_start3A_596, %dma_start3A_608, %dma_start3A_609] : memref<4x128x128xf32, #tpu.memory_space<vmem>> -> memref<1x128x128xf32, #tpu.memory_space<vmem>>
          %dma_start3A_611 = tpu.memref_squeeze %dma_start3A_610 : memref<1x128x128xf32, #tpu.memory_space<vmem>> -> memref<128x128xf32, #tpu.memory_space<vmem>>
          tpu.enqueue_dma source(%dma_start3A_611 : memref<128x128xf32, #tpu.memory_space<vmem>>) target(%dma_start3A_607 : memref<128x128xf32, #tpu.memory_space<hbm>>) target_semaphore(%dma_start3A_605 : memref<!tpu.dma_semaphore, #tpu.memory_space<semaphore_mem>>)
          %dma_wait3A_612 = arith.constant 2 : i32
          %dma_wait3A_613 = arith.constant 2 : i32
          %dma_wait3A_614 = arith.constant 0 : i32
          %dma_wait3A_615 = arith.constant 0 : i32
          %dma_wait3A_616 = tpu.memref_slice %arg6[%dma_wait3A_612, %dma_wait3A_614, %dma_wait3A_615] : memref<4x128x128xf32, #tpu.memory_space<vmem>> -> memref<1x128x128xf32, #tpu.memory_space<vmem>>
          %dma_wait3A_617 = tpu.memref_squeeze %dma_wait3A_616 : memref<1x128x128xf32, #tpu.memory_space<vmem>> -> memref<128x128xf32, #tpu.memory_space<vmem>>
          %dma_wait3A_618 = arith.constant 0 : i32
          %dma_wait3A_619 = tpu.memref_slice %arg4[%multiple_of3A_571, %dma_wait3A_618] : memref<2097152x128xf32, #tpu.memory_space<hbm>> -> memref<128x128xf32, #tpu.memory_space<hbm>>
          %dma_wait3A_620 = tpu.memref_slice %arg8[%dma_wait3A_613] : memref<4x!tpu.dma_semaphore, #tpu.memory_space<semaphore_mem>> -> memref<1x!tpu.dma_semaphore, #tpu.memory_space<semaphore_mem>>
          %dma_wait3A_621 = tpu.memref_squeeze %dma_wait3A_620 : memref<1x!tpu.dma_semaphore, #tpu.memory_space<semaphore_mem>> -> memref<!tpu.dma_semaphore, #tpu.memory_space<semaphore_mem>>
          %dma_wait3A_622 = arith.constant 0 : i32
          %dma_wait3A_623 = tpu.memref_slice %arg4[%multiple_of3A_571, %dma_wait3A_622] : memref<2097152x128xf32, #tpu.memory_space<hbm>> -> memref<128x128xf32, #tpu.memory_space<hbm>>
          %dma_wait3A_624 = arith.constant 0 : i32
          %dma_wait3A_625 = arith.constant 0 : i32
          %dma_wait3A_626 = tpu.memref_slice %arg6[%dma_wait3A_612, %dma_wait3A_624, %dma_wait3A_625] : memref<4x128x128xf32, #tpu.memory_space<vmem>> -> memref<1x128x128xf32, #tpu.memory_space<vmem>>
          %dma_wait3A_627 = tpu.memref_squeeze %dma_wait3A_626 : memref<1x128x128xf32, #tpu.memory_space<vmem>> -> memref<128x128xf32, #tpu.memory_space<vmem>>
          tpu.wait_dma2 semaphore(%dma_wait3A_621 : memref<!tpu.dma_semaphore, #tpu.memory_space<semaphore_mem>>) src(%dma_wait3A_627 : memref<128x128xf32, #tpu.memory_space<vmem>>) dst(%dma_wait3A_623 : memref<128x128xf32, #tpu.memory_space<hbm>>)
        } else {
        }
        %dma_start3A_511 = arith.constant 2 : i32
        %dma_start3A_512 = arith.constant 2 : i32
        %dma_start3A_513 = arith.constant 0 : i32
        %dma_start3A_514 = arith.constant 0 : i32
        %dma_start3A_515 = tpu.memref_slice %arg6[%dma_start3A_511, %dma_start3A_513, %dma_start3A_514] : memref<4x128x128xf32, #tpu.memory_space<vmem>> -> memref<1x128x128xf32, #tpu.memory_space<vmem>>
        %dma_start3A_516 = tpu.memref_squeeze %dma_start3A_515 : memref<1x128x128xf32, #tpu.memory_space<vmem>> -> memref<128x128xf32, #tpu.memory_space<vmem>>
        %dma_start3A_517 = arith.constant 0 : i32
        %dma_start3A_518 = arith.constant 0 : i32
        %dma_start3A_519 = tpu.memref_slice %arg5[%rem3A_268, %dma_start3A_517, %dma_start3A_518] : memref<2x32x128xi32, #tpu.memory_space<vmem>> -> memref<1x32x128xi32, #tpu.memory_space<vmem>>
        %dma_start3A_520 = tpu.memref_squeeze %dma_start3A_519 : memref<1x32x128xi32, #tpu.memory_space<vmem>> -> memref<32x128xi32, #tpu.memory_space<vmem>>
        %dma_start3A_521 = arith.constant 0 : i32
        %dma_start3A_522 = tpu.memref_slice %dma_start3A_520[%add3A_501, %dma_start3A_521] : memref<32x128xi32, #tpu.memory_space<vmem>> -> memref<1x128xi32, #tpu.memory_space<vmem>>
        %dma_start3A_523 = tpu.memref_squeeze %dma_start3A_522 : memref<1x128xi32, #tpu.memory_space<vmem>> -> memref<128xi32, #tpu.memory_space<vmem>>
        %dma_start3A_524 = arith.constant 0 : i32
        %dma_start3A_525 = arith.constant 0 : i32
        %dma_start3A_526 = tpu.memref_slice %arg10[%arg1, %dma_start3A_524, %dma_start3A_525] : memref<16x4x128xf32, #tpu.memory_space<vmem_shared>> -> memref<1x4x128xf32, #tpu.memory_space<vmem_shared>>
        %dma_start3A_527 = tpu.memref_squeeze %dma_start3A_526 : memref<1x4x128xf32, #tpu.memory_space<vmem_shared>> -> memref<4x128xf32, #tpu.memory_space<vmem_shared>>
        %dma_start3A_528 = arith.constant 0 : i32
        %dma_start3A_529 = arith.constant 0 : i32
        %dma_start3A_530 = tpu.memref_slice %dma_start3A_527[%dma_start3A_528, %dma_start3A_529] : memref<4x128xf32, #tpu.memory_space<vmem_shared>> -> memref<4x128xf32, #tpu.memory_space<vmem_shared>>
        %dma_start3A_531 = tpu.memref_slice %arg7[%dma_start3A_512] : memref<4x!tpu.dma_semaphore, #tpu.memory_space<semaphore_mem>> -> memref<1x!tpu.dma_semaphore, #tpu.memory_space<semaphore_mem>>
        %dma_start3A_532 = tpu.memref_squeeze %dma_start3A_531 : memref<1x!tpu.dma_semaphore, #tpu.memory_space<semaphore_mem>> -> memref<!tpu.dma_semaphore, #tpu.memory_space<semaphore_mem>>
        tpu.enqueue_indirect_dma source(%dma_start3A_530 : memref<4x128xf32, #tpu.memory_space<vmem_shared>>) target(%dma_start3A_516 : memref<128x128xf32, #tpu.memory_space<vmem>>) offsets(%dma_start3A_523 : memref<128xi32, #tpu.memory_space<vmem>>) semaphore(%dma_start3A_532 : memref<!tpu.dma_semaphore, #tpu.memory_space<semaphore_mem>>)
        %mul3A_533 = arith.constant 4 : i32
        %mul3A_534 = arith.muli %scan3A_427, %mul3A_533 : i32
        %add3A_535 = arith.constant 3 : i32
        %add3A_536 = arith.addi %mul3A_534, %add3A_535 : i32
        %mul3A_537 = arith.constant 32 : i32
        %mul3A_538 = arith.muli %scan3A_267, %mul3A_537 : i32
        %add3A_539 = arith.addi %mul3A_538, %add3A_536 : i32
        %add3A_540 = arith.addi %mul3A_2, %add3A_539 : i32
        %ge3A_541 = arith.constant 4 : i32
        %ge3A_542 = arith.cmpi sge, %add3A_539, %ge3A_541 : i32
        %convert_element_type3A_543 = arith.extui %ge3A_542 : i1 to i32
        %cond3A_544 = arith.constant 0 : i32
        %cond3A_545 = arith.cmpi ne, %convert_element_type3A_543, %cond3A_544 : i32
        scf.if %cond3A_545 {
          %sub3A = arith.constant 4 : i32
          %sub3A_568 = arith.subi %add3A_540, %sub3A : i32
          %mul3A_569 = arith.constant 128 : i32
          %mul3A_570 = arith.muli %sub3A_568, %mul3A_569 : i32
          %multiple_of3A_571 = tpu.assume_multiple %mul3A_570, 128 : i32
          %dma_wait3A_572 = arith.constant 0 : i32
          %dma_wait3A_573 = arith.constant 0 : i32
          %dma_wait3A_574 = arith.constant 3 : i32
          %dma_wait3A_575 = arith.constant 3 : i32
          %dma_wait3A_576 = arith.constant 0 : i32
          %dma_wait3A_577 = arith.constant 0 : i32
          %dma_wait3A_578 = tpu.memref_slice %arg6[%dma_wait3A_574, %dma_wait3A_576, %dma_wait3A_577] : memref<4x128x128xf32, #tpu.memory_space<vmem>> -> memref<1x128x128xf32, #tpu.memory_space<vmem>>
          %dma_wait3A_579 = tpu.memref_squeeze %dma_wait3A_578 : memref<1x128x128xf32, #tpu.memory_space<vmem>> -> memref<128x128xf32, #tpu.memory_space<vmem>>
          %dma_wait3A_580 = arith.constant 0 : i32
          %dma_wait3A_581 = arith.constant 0 : i32
          %dma_wait3A_582 = tpu.memref_slice %arg5[%dma_wait3A_572, %dma_wait3A_580, %dma_wait3A_581] : memref<2x32x128xi32, #tpu.memory_space<vmem>> -> memref<1x32x128xi32, #tpu.memory_space<vmem>>
          %dma_wait3A_583 = tpu.memref_squeeze %dma_wait3A_582 : memref<1x32x128xi32, #tpu.memory_space<vmem>> -> memref<32x128xi32, #tpu.memory_space<vmem>>
          %dma_wait3A_584 = arith.constant 0 : i32
          %dma_wait3A_585 = tpu.memref_slice %dma_wait3A_583[%dma_wait3A_573, %dma_wait3A_584] : memref<32x128xi32, #tpu.memory_space<vmem>> -> memref<1x128xi32, #tpu.memory_space<vmem>>
          %dma_wait3A_586 = tpu.memref_squeeze %dma_wait3A_585 : memref<1x128xi32, #tpu.memory_space<vmem>> -> memref<128xi32, #tpu.memory_space<vmem>>
          %dma_wait3A_587 = arith.constant 0 : i32
          %dma_wait3A_588 = arith.constant 0 : i32
          %dma_wait3A_589 = tpu.memref_slice %arg10[%arg1, %dma_wait3A_587, %dma_wait3A_588] : memref<16x4x128xf32, #tpu.memory_space<vmem_shared>> -> memref<1x4x128xf32, #tpu.memory_space<vmem_shared>>
          %dma_wait3A_590 = tpu.memref_squeeze %dma_wait3A_589 : memref<1x4x128xf32, #tpu.memory_space<vmem_shared>> -> memref<4x128xf32, #tpu.memory_space<vmem_shared>>
          %dma_wait3A_591 = arith.constant 0 : i32
          %dma_wait3A_592 = arith.constant 0 : i32
          %dma_wait3A_593 = tpu.memref_slice %dma_wait3A_590[%dma_wait3A_591, %dma_wait3A_592] : memref<4x128xf32, #tpu.memory_space<vmem_shared>> -> memref<4x128xf32, #tpu.memory_space<vmem_shared>>
          %dma_wait3A_594 = tpu.memref_slice %arg7[%dma_wait3A_575] : memref<4x!tpu.dma_semaphore, #tpu.memory_space<semaphore_mem>> -> memref<1x!tpu.dma_semaphore, #tpu.memory_space<semaphore_mem>>
          %dma_wait3A_595 = tpu.memref_squeeze %dma_wait3A_594 : memref<1x!tpu.dma_semaphore, #tpu.memory_space<semaphore_mem>> -> memref<!tpu.dma_semaphore, #tpu.memory_space<semaphore_mem>>
          tpu.wait_indirect_dma semaphore(%dma_wait3A_595 : memref<!tpu.dma_semaphore, #tpu.memory_space<semaphore_mem>>) src(%dma_wait3A_593 : memref<4x128xf32, #tpu.memory_space<vmem_shared>>) dst(%dma_wait3A_579 : memref<128x128xf32, #tpu.memory_space<vmem>>)
          %dma_start3A_596 = arith.constant 3 : i32
          %dma_start3A_597 = arith.constant 3 : i32
          %dma_start3A_598 = arith.constant 0 : i32
          %dma_start3A_599 = arith.constant 0 : i32
          %dma_start3A_600 = tpu.memref_slice %arg6[%dma_start3A_596, %dma_start3A_598, %dma_start3A_599] : memref<4x128x128xf32, #tpu.memory_space<vmem>> -> memref<1x128x128xf32, #tpu.memory_space<vmem>>
          %dma_start3A_601 = tpu.memref_squeeze %dma_start3A_600 : memref<1x128x128xf32, #tpu.memory_space<vmem>> -> memref<128x128xf32, #tpu.memory_space<vmem>>
          %dma_start3A_602 = arith.constant 0 : i32
          %dma_start3A_603 = tpu.memref_slice %arg4[%multiple_of3A_571, %dma_start3A_602] : memref<2097152x128xf32, #tpu.memory_space<hbm>> -> memref<128x128xf32, #tpu.memory_space<hbm>>
          %dma_start3A_604 = tpu.memref_slice %arg8[%dma_start3A_597] : memref<4x!tpu.dma_semaphore, #tpu.memory_space<semaphore_mem>> -> memref<1x!tpu.dma_semaphore, #tpu.memory_space<semaphore_mem>>
          %dma_start3A_605 = tpu.memref_squeeze %dma_start3A_604 : memref<1x!tpu.dma_semaphore, #tpu.memory_space<semaphore_mem>> -> memref<!tpu.dma_semaphore, #tpu.memory_space<semaphore_mem>>
          %dma_start3A_606 = arith.constant 0 : i32
          %dma_start3A_607 = tpu.memref_slice %arg4[%multiple_of3A_571, %dma_start3A_606] : memref<2097152x128xf32, #tpu.memory_space<hbm>> -> memref<128x128xf32, #tpu.memory_space<hbm>>
          %dma_start3A_608 = arith.constant 0 : i32
          %dma_start3A_609 = arith.constant 0 : i32
          %dma_start3A_610 = tpu.memref_slice %arg6[%dma_start3A_596, %dma_start3A_608, %dma_start3A_609] : memref<4x128x128xf32, #tpu.memory_space<vmem>> -> memref<1x128x128xf32, #tpu.memory_space<vmem>>
          %dma_start3A_611 = tpu.memref_squeeze %dma_start3A_610 : memref<1x128x128xf32, #tpu.memory_space<vmem>> -> memref<128x128xf32, #tpu.memory_space<vmem>>
          tpu.enqueue_dma source(%dma_start3A_611 : memref<128x128xf32, #tpu.memory_space<vmem>>) target(%dma_start3A_607 : memref<128x128xf32, #tpu.memory_space<hbm>>) target_semaphore(%dma_start3A_605 : memref<!tpu.dma_semaphore, #tpu.memory_space<semaphore_mem>>)
          %dma_wait3A_612 = arith.constant 3 : i32
          %dma_wait3A_613 = arith.constant 3 : i32
          %dma_wait3A_614 = arith.constant 0 : i32
          %dma_wait3A_615 = arith.constant 0 : i32
          %dma_wait3A_616 = tpu.memref_slice %arg6[%dma_wait3A_612, %dma_wait3A_614, %dma_wait3A_615] : memref<4x128x128xf32, #tpu.memory_space<vmem>> -> memref<1x128x128xf32, #tpu.memory_space<vmem>>
          %dma_wait3A_617 = tpu.memref_squeeze %dma_wait3A_616 : memref<1x128x128xf32, #tpu.memory_space<vmem>> -> memref<128x128xf32, #tpu.memory_space<vmem>>
          %dma_wait3A_618 = arith.constant 0 : i32
          %dma_wait3A_619 = tpu.memref_slice %arg4[%multiple_of3A_571, %dma_wait3A_618] : memref<2097152x128xf32, #tpu.memory_space<hbm>> -> memref<128x128xf32, #tpu.memory_space<hbm>>
          %dma_wait3A_620 = tpu.memref_slice %arg8[%dma_wait3A_613] : memref<4x!tpu.dma_semaphore, #tpu.memory_space<semaphore_mem>> -> memref<1x!tpu.dma_semaphore, #tpu.memory_space<semaphore_mem>>
          %dma_wait3A_621 = tpu.memref_squeeze %dma_wait3A_620 : memref<1x!tpu.dma_semaphore, #tpu.memory_space<semaphore_mem>> -> memref<!tpu.dma_semaphore, #tpu.memory_space<semaphore_mem>>
          %dma_wait3A_622 = arith.constant 0 : i32
          %dma_wait3A_623 = tpu.memref_slice %arg4[%multiple_of3A_571, %dma_wait3A_622] : memref<2097152x128xf32, #tpu.memory_space<hbm>> -> memref<128x128xf32, #tpu.memory_space<hbm>>
          %dma_wait3A_624 = arith.constant 0 : i32
          %dma_wait3A_625 = arith.constant 0 : i32
          %dma_wait3A_626 = tpu.memref_slice %arg6[%dma_wait3A_612, %dma_wait3A_624, %dma_wait3A_625] : memref<4x128x128xf32, #tpu.memory_space<vmem>> -> memref<1x128x128xf32, #tpu.memory_space<vmem>>
          %dma_wait3A_627 = tpu.memref_squeeze %dma_wait3A_626 : memref<1x128x128xf32, #tpu.memory_space<vmem>> -> memref<128x128xf32, #tpu.memory_space<vmem>>
          tpu.wait_dma2 semaphore(%dma_wait3A_621 : memref<!tpu.dma_semaphore, #tpu.memory_space<semaphore_mem>>) src(%dma_wait3A_627 : memref<128x128xf32, #tpu.memory_space<vmem>>) dst(%dma_wait3A_623 : memref<128x128xf32, #tpu.memory_space<hbm>>)
        } else {
        }
        %dma_start3A_546 = arith.constant 3 : i32
        %dma_start3A_547 = arith.constant 3 : i32
        %dma_start3A_548 = arith.constant 0 : i32
        %dma_start3A_549 = arith.constant 0 : i32
        %dma_start3A_550 = tpu.memref_slice %arg6[%dma_start3A_546, %dma_start3A_548, %dma_start3A_549] : memref<4x128x128xf32, #tpu.memory_space<vmem>> -> memref<1x128x128xf32, #tpu.memory_space<vmem>>
        %dma_start3A_551 = tpu.memref_squeeze %dma_start3A_550 : memref<1x128x128xf32, #tpu.memory_space<vmem>> -> memref<128x128xf32, #tpu.memory_space<vmem>>
        %dma_start3A_552 = arith.constant 0 : i32
        %dma_start3A_553 = arith.constant 0 : i32
        %dma_start3A_554 = tpu.memref_slice %arg5[%rem3A_268, %dma_start3A_552, %dma_start3A_553] : memref<2x32x128xi32, #tpu.memory_space<vmem>> -> memref<1x32x128xi32, #tpu.memory_space<vmem>>
        %dma_start3A_555 = tpu.memref_squeeze %dma_start3A_554 : memref<1x32x128xi32, #tpu.memory_space<vmem>> -> memref<32x128xi32, #tpu.memory_space<vmem>>
        %dma_start3A_556 = arith.constant 0 : i32
        %dma_start3A_557 = tpu.memref_slice %dma_start3A_555[%add3A_536, %dma_start3A_556] : memref<32x128xi32, #tpu.memory_space<vmem>> -> memref<1x128xi32, #tpu.memory_space<vmem>>
        %dma_start3A_558 = tpu.memref_squeeze %dma_start3A_557 : memref<1x128xi32, #tpu.memory_space<vmem>> -> memref<128xi32, #tpu.memory_space<vmem>>
        %dma_start3A_559 = arith.constant 0 : i32
        %dma_start3A_560 = arith.constant 0 : i32
        %dma_start3A_561 = tpu.memref_slice %arg10[%arg1, %dma_start3A_559, %dma_start3A_560] : memref<16x4x128xf32, #tpu.memory_space<vmem_shared>> -> memref<1x4x128xf32, #tpu.memory_space<vmem_shared>>
        %dma_start3A_562 = tpu.memref_squeeze %dma_start3A_561 : memref<1x4x128xf32, #tpu.memory_space<vmem_shared>> -> memref<4x128xf32, #tpu.memory_space<vmem_shared>>
        %dma_start3A_563 = arith.constant 0 : i32
        %dma_start3A_564 = arith.constant 0 : i32
        %dma_start3A_565 = tpu.memref_slice %dma_start3A_562[%dma_start3A_563, %dma_start3A_564] : memref<4x128xf32, #tpu.memory_space<vmem_shared>> -> memref<4x128xf32, #tpu.memory_space<vmem_shared>>
        %dma_start3A_566 = tpu.memref_slice %arg7[%dma_start3A_547] : memref<4x!tpu.dma_semaphore, #tpu.memory_space<semaphore_mem>> -> memref<1x!tpu.dma_semaphore, #tpu.memory_space<semaphore_mem>>
        %dma_start3A_567 = tpu.memref_squeeze %dma_start3A_566 : memref<1x!tpu.dma_semaphore, #tpu.memory_space<semaphore_mem>> -> memref<!tpu.dma_semaphore, #tpu.memory_space<semaphore_mem>>
        tpu.enqueue_indirect_dma source(%dma_start3A_565 : memref<4x128xf32, #tpu.memory_space<vmem_shared>>) target(%dma_start3A_551 : memref<128x128xf32, #tpu.memory_space<vmem>>) offsets(%dma_start3A_558 : memref<128xi32, #tpu.memory_space<vmem>>) semaphore(%dma_start3A_567 : memref<!tpu.dma_semaphore, #tpu.memory_space<semaphore_mem>>)
      }
      %scan3A_426 = arith.constant 7 : i32
    }
    %scan3A_23 = arith.constant 16 : i32
    %add3A_24 = arith.constant 508 : i32
    %add3A_25 = arith.addi %mul3A_2, %add3A_24 : i32
    %mul3A_26 = arith.constant 128 : i32
    %mul3A_27 = arith.muli %add3A_25, %mul3A_26 : i32
    %multiple_of3A_28 = tpu.assume_multiple %mul3A_27, 128 : i32
    %dma_wait3A = arith.constant 0 : i32
    %dma_wait3A_29 = arith.constant 0 : i32
    %dma_wait3A_30 = arith.constant 0 : i32
    %dma_wait3A_31 = arith.constant 0 : i32
    %dma_wait3A_32 = arith.constant 0 : i32
    %dma_wait3A_33 = arith.constant 0 : i32
    %dma_wait3A_34 = tpu.memref_slice %arg6[%dma_wait3A_30, %dma_wait3A_32, %dma_wait3A_33] : memref<4x128x128xf32, #tpu.memory_space<vmem>> -> memref<1x128x128xf32, #tpu.memory_space<vmem>>
    %dma_wait3A_35 = tpu.memref_squeeze %dma_wait3A_34 : memref<1x128x128xf32, #tpu.memory_space<vmem>> -> memref<128x128xf32, #tpu.memory_space<vmem>>
    %dma_wait3A_36 = arith.constant 0 : i32
    %dma_wait3A_37 = arith.constant 0 : i32
    %dma_wait3A_38 = tpu.memref_slice %arg5[%dma_wait3A, %dma_wait3A_36, %dma_wait3A_37] : memref<2x32x128xi32, #tpu.memory_space<vmem>> -> memref<1x32x128xi32, #tpu.memory_space<vmem>>
    %dma_wait3A_39 = tpu.memref_squeeze %dma_wait3A_38 : memref<1x32x128xi32, #tpu.memory_space<vmem>> -> memref<32x128xi32, #tpu.memory_space<vmem>>
    %dma_wait3A_40 = arith.constant 0 : i32
    %dma_wait3A_41 = tpu.memref_slice %dma_wait3A_39[%dma_wait3A_29, %dma_wait3A_40] : memref<32x128xi32, #tpu.memory_space<vmem>> -> memref<1x128xi32, #tpu.memory_space<vmem>>
    %dma_wait3A_42 = tpu.memref_squeeze %dma_wait3A_41 : memref<1x128xi32, #tpu.memory_space<vmem>> -> memref<128xi32, #tpu.memory_space<vmem>>
    %dma_wait3A_43 = arith.constant 0 : i32
    %dma_wait3A_44 = arith.constant 0 : i32
    %dma_wait3A_45 = tpu.memref_slice %arg10[%arg1, %dma_wait3A_43, %dma_wait3A_44] : memref<16x4x128xf32, #tpu.memory_space<vmem_shared>> -> memref<1x4x128xf32, #tpu.memory_space<vmem_shared>>
    %dma_wait3A_46 = tpu.memref_squeeze %dma_wait3A_45 : memref<1x4x128xf32, #tpu.memory_space<vmem_shared>> -> memref<4x128xf32, #tpu.memory_space<vmem_shared>>
    %dma_wait3A_47 = arith.constant 0 : i32
    %dma_wait3A_48 = arith.constant 0 : i32
    %dma_wait3A_49 = tpu.memref_slice %dma_wait3A_46[%dma_wait3A_47, %dma_wait3A_48] : memref<4x128xf32, #tpu.memory_space<vmem_shared>> -> memref<4x128xf32, #tpu.memory_space<vmem_shared>>
    %dma_wait3A_50 = tpu.memref_slice %arg7[%dma_wait3A_31] : memref<4x!tpu.dma_semaphore, #tpu.memory_space<semaphore_mem>> -> memref<1x!tpu.dma_semaphore, #tpu.memory_space<semaphore_mem>>
    %dma_wait3A_51 = tpu.memref_squeeze %dma_wait3A_50 : memref<1x!tpu.dma_semaphore, #tpu.memory_space<semaphore_mem>> -> memref<!tpu.dma_semaphore, #tpu.memory_space<semaphore_mem>>
    tpu.wait_indirect_dma semaphore(%dma_wait3A_51 : memref<!tpu.dma_semaphore, #tpu.memory_space<semaphore_mem>>) src(%dma_wait3A_49 : memref<4x128xf32, #tpu.memory_space<vmem_shared>>) dst(%dma_wait3A_35 : memref<128x128xf32, #tpu.memory_space<vmem>>)
    %dma_start3A_52 = arith.constant 0 : i32
    %dma_start3A_53 = arith.constant 0 : i32
    %dma_start3A_54 = arith.constant 0 : i32
    %dma_start3A_55 = arith.constant 0 : i32
    %dma_start3A_56 = tpu.memref_slice %arg6[%dma_start3A_52, %dma_start3A_54, %dma_start3A_55] : memref<4x128x128xf32, #tpu.memory_space<vmem>> -> memref<1x128x128xf32, #tpu.memory_space<vmem>>
    %dma_start3A_57 = tpu.memref_squeeze %dma_start3A_56 : memref<1x128x128xf32, #tpu.memory_space<vmem>> -> memref<128x128xf32, #tpu.memory_space<vmem>>
    %dma_start3A_58 = arith.constant 0 : i32
    %dma_start3A_59 = tpu.memref_slice %arg4[%multiple_of3A_28, %dma_start3A_58] : memref<2097152x128xf32, #tpu.memory_space<hbm>> -> memref<128x128xf32, #tpu.memory_space<hbm>>
    %dma_start3A_60 = tpu.memref_slice %arg8[%dma_start3A_53] : memref<4x!tpu.dma_semaphore, #tpu.memory_space<semaphore_mem>> -> memref<1x!tpu.dma_semaphore, #tpu.memory_space<semaphore_mem>>
    %dma_start3A_61 = tpu.memref_squeeze %dma_start3A_60 : memref<1x!tpu.dma_semaphore, #tpu.memory_space<semaphore_mem>> -> memref<!tpu.dma_semaphore, #tpu.memory_space<semaphore_mem>>
    %dma_start3A_62 = arith.constant 0 : i32
    %dma_start3A_63 = tpu.memref_slice %arg4[%multiple_of3A_28, %dma_start3A_62] : memref<2097152x128xf32, #tpu.memory_space<hbm>> -> memref<128x128xf32, #tpu.memory_space<hbm>>
    %dma_start3A_64 = arith.constant 0 : i32
    %dma_start3A_65 = arith.constant 0 : i32
    %dma_start3A_66 = tpu.memref_slice %arg6[%dma_start3A_52, %dma_start3A_64, %dma_start3A_65] : memref<4x128x128xf32, #tpu.memory_space<vmem>> -> memref<1x128x128xf32, #tpu.memory_space<vmem>>
    %dma_start3A_67 = tpu.memref_squeeze %dma_start3A_66 : memref<1x128x128xf32, #tpu.memory_space<vmem>> -> memref<128x128xf32, #tpu.memory_space<vmem>>
    tpu.enqueue_dma source(%dma_start3A_67 : memref<128x128xf32, #tpu.memory_space<vmem>>) target(%dma_start3A_63 : memref<128x128xf32, #tpu.memory_space<hbm>>) target_semaphore(%dma_start3A_61 : memref<!tpu.dma_semaphore, #tpu.memory_space<semaphore_mem>>)
    %dma_wait3A_68 = arith.constant 0 : i32
    %dma_wait3A_69 = arith.constant 0 : i32
    %dma_wait3A_70 = arith.constant 0 : i32
    %dma_wait3A_71 = arith.constant 0 : i32
    %dma_wait3A_72 = tpu.memref_slice %arg6[%dma_wait3A_68, %dma_wait3A_70, %dma_wait3A_71] : memref<4x128x128xf32, #tpu.memory_space<vmem>> -> memref<1x128x128xf32, #tpu.memory_space<vmem>>
    %dma_wait3A_73 = tpu.memref_squeeze %dma_wait3A_72 : memref<1x128x128xf32, #tpu.memory_space<vmem>> -> memref<128x128xf32, #tpu.memory_space<vmem>>
    %dma_wait3A_74 = arith.constant 0 : i32
    %dma_wait3A_75 = tpu.memref_slice %arg4[%multiple_of3A_28, %dma_wait3A_74] : memref<2097152x128xf32, #tpu.memory_space<hbm>> -> memref<128x128xf32, #tpu.memory_space<hbm>>
    %dma_wait3A_76 = tpu.memref_slice %arg8[%dma_wait3A_69] : memref<4x!tpu.dma_semaphore, #tpu.memory_space<semaphore_mem>> -> memref<1x!tpu.dma_semaphore, #tpu.memory_space<semaphore_mem>>
    %dma_wait3A_77 = tpu.memref_squeeze %dma_wait3A_76 : memref<1x!tpu.dma_semaphore, #tpu.memory_space<semaphore_mem>> -> memref<!tpu.dma_semaphore, #tpu.memory_space<semaphore_mem>>
    %dma_wait3A_78 = arith.constant 0 : i32
    %dma_wait3A_79 = tpu.memref_slice %arg4[%multiple_of3A_28, %dma_wait3A_78] : memref<2097152x128xf32, #tpu.memory_space<hbm>> -> memref<128x128xf32, #tpu.memory_space<hbm>>
    %dma_wait3A_80 = arith.constant 0 : i32
    %dma_wait3A_81 = arith.constant 0 : i32
    %dma_wait3A_82 = tpu.memref_slice %arg6[%dma_wait3A_68, %dma_wait3A_80, %dma_wait3A_81] : memref<4x128x128xf32, #tpu.memory_space<vmem>> -> memref<1x128x128xf32, #tpu.memory_space<vmem>>
    %dma_wait3A_83 = tpu.memref_squeeze %dma_wait3A_82 : memref<1x128x128xf32, #tpu.memory_space<vmem>> -> memref<128x128xf32, #tpu.memory_space<vmem>>
    tpu.wait_dma2 semaphore(%dma_wait3A_77 : memref<!tpu.dma_semaphore, #tpu.memory_space<semaphore_mem>>) src(%dma_wait3A_83 : memref<128x128xf32, #tpu.memory_space<vmem>>) dst(%dma_wait3A_79 : memref<128x128xf32, #tpu.memory_space<hbm>>)
    %add3A_84 = arith.constant 509 : i32
    %add3A_85 = arith.addi %mul3A_2, %add3A_84 : i32
    %mul3A_86 = arith.constant 128 : i32
    %mul3A_87 = arith.muli %add3A_85, %mul3A_86 : i32
    %multiple_of3A_88 = tpu.assume_multiple %mul3A_87, 128 : i32
    %dma_wait3A_89 = arith.constant 0 : i32
    %dma_wait3A_90 = arith.constant 0 : i32
    %dma_wait3A_91 = arith.constant 1 : i32
    %dma_wait3A_92 = arith.constant 1 : i32
    %dma_wait3A_93 = arith.constant 0 : i32
    %dma_wait3A_94 = arith.constant 0 : i32
    %dma_wait3A_95 = tpu.memref_slice %arg6[%dma_wait3A_91, %dma_wait3A_93, %dma_wait3A_94] : memref<4x128x128xf32, #tpu.memory_space<vmem>> -> memref<1x128x128xf32, #tpu.memory_space<vmem>>
    %dma_wait3A_96 = tpu.memref_squeeze %dma_wait3A_95 : memref<1x128x128xf32, #tpu.memory_space<vmem>> -> memref<128x128xf32, #tpu.memory_space<vmem>>
    %dma_wait3A_97 = arith.constant 0 : i32
    %dma_wait3A_98 = arith.constant 0 : i32
    %dma_wait3A_99 = tpu.memref_slice %arg5[%dma_wait3A_89, %dma_wait3A_97, %dma_wait3A_98] : memref<2x32x128xi32, #tpu.memory_space<vmem>> -> memref<1x32x128xi32, #tpu.memory_space<vmem>>
    %dma_wait3A_100 = tpu.memref_squeeze %dma_wait3A_99 : memref<1x32x128xi32, #tpu.memory_space<vmem>> -> memref<32x128xi32, #tpu.memory_space<vmem>>
    %dma_wait3A_101 = arith.constant 0 : i32
    %dma_wait3A_102 = tpu.memref_slice %dma_wait3A_100[%dma_wait3A_90, %dma_wait3A_101] : memref<32x128xi32, #tpu.memory_space<vmem>> -> memref<1x128xi32, #tpu.memory_space<vmem>>
    %dma_wait3A_103 = tpu.memref_squeeze %dma_wait3A_102 : memref<1x128xi32, #tpu.memory_space<vmem>> -> memref<128xi32, #tpu.memory_space<vmem>>
    %dma_wait3A_104 = arith.constant 0 : i32
    %dma_wait3A_105 = arith.constant 0 : i32
    %dma_wait3A_106 = tpu.memref_slice %arg10[%arg1, %dma_wait3A_104, %dma_wait3A_105] : memref<16x4x128xf32, #tpu.memory_space<vmem_shared>> -> memref<1x4x128xf32, #tpu.memory_space<vmem_shared>>
    %dma_wait3A_107 = tpu.memref_squeeze %dma_wait3A_106 : memref<1x4x128xf32, #tpu.memory_space<vmem_shared>> -> memref<4x128xf32, #tpu.memory_space<vmem_shared>>
    %dma_wait3A_108 = arith.constant 0 : i32
    %dma_wait3A_109 = arith.constant 0 : i32
    %dma_wait3A_110 = tpu.memref_slice %dma_wait3A_107[%dma_wait3A_108, %dma_wait3A_109] : memref<4x128xf32, #tpu.memory_space<vmem_shared>> -> memref<4x128xf32, #tpu.memory_space<vmem_shared>>
    %dma_wait3A_111 = tpu.memref_slice %arg7[%dma_wait3A_92] : memref<4x!tpu.dma_semaphore, #tpu.memory_space<semaphore_mem>> -> memref<1x!tpu.dma_semaphore, #tpu.memory_space<semaphore_mem>>
    %dma_wait3A_112 = tpu.memref_squeeze %dma_wait3A_111 : memref<1x!tpu.dma_semaphore, #tpu.memory_space<semaphore_mem>> -> memref<!tpu.dma_semaphore, #tpu.memory_space<semaphore_mem>>
    tpu.wait_indirect_dma semaphore(%dma_wait3A_112 : memref<!tpu.dma_semaphore, #tpu.memory_space<semaphore_mem>>) src(%dma_wait3A_110 : memref<4x128xf32, #tpu.memory_space<vmem_shared>>) dst(%dma_wait3A_96 : memref<128x128xf32, #tpu.memory_space<vmem>>)
    %dma_start3A_113 = arith.constant 1 : i32
    %dma_start3A_114 = arith.constant 1 : i32
    %dma_start3A_115 = arith.constant 0 : i32
    %dma_start3A_116 = arith.constant 0 : i32
    %dma_start3A_117 = tpu.memref_slice %arg6[%dma_start3A_113, %dma_start3A_115, %dma_start3A_116] : memref<4x128x128xf32, #tpu.memory_space<vmem>> -> memref<1x128x128xf32, #tpu.memory_space<vmem>>
    %dma_start3A_118 = tpu.memref_squeeze %dma_start3A_117 : memref<1x128x128xf32, #tpu.memory_space<vmem>> -> memref<128x128xf32, #tpu.memory_space<vmem>>
    %dma_start3A_119 = arith.constant 0 : i32
    %dma_start3A_120 = tpu.memref_slice %arg4[%multiple_of3A_88, %dma_start3A_119] : memref<2097152x128xf32, #tpu.memory_space<hbm>> -> memref<128x128xf32, #tpu.memory_space<hbm>>
    %dma_start3A_121 = tpu.memref_slice %arg8[%dma_start3A_114] : memref<4x!tpu.dma_semaphore, #tpu.memory_space<semaphore_mem>> -> memref<1x!tpu.dma_semaphore, #tpu.memory_space<semaphore_mem>>
    %dma_start3A_122 = tpu.memref_squeeze %dma_start3A_121 : memref<1x!tpu.dma_semaphore, #tpu.memory_space<semaphore_mem>> -> memref<!tpu.dma_semaphore, #tpu.memory_space<semaphore_mem>>
    %dma_start3A_123 = arith.constant 0 : i32
    %dma_start3A_124 = tpu.memref_slice %arg4[%multiple_of3A_88, %dma_start3A_123] : memref<2097152x128xf32, #tpu.memory_space<hbm>> -> memref<128x128xf32, #tpu.memory_space<hbm>>
    %dma_start3A_125 = arith.constant 0 : i32
    %dma_start3A_126 = arith.constant 0 : i32
    %dma_start3A_127 = tpu.memref_slice %arg6[%dma_start3A_113, %dma_start3A_125, %dma_start3A_126] : memref<4x128x128xf32, #tpu.memory_space<vmem>> -> memref<1x128x128xf32, #tpu.memory_space<vmem>>
    %dma_start3A_128 = tpu.memref_squeeze %dma_start3A_127 : memref<1x128x128xf32, #tpu.memory_space<vmem>> -> memref<128x128xf32, #tpu.memory_space<vmem>>
    tpu.enqueue_dma source(%dma_start3A_128 : memref<128x128xf32, #tpu.memory_space<vmem>>) target(%dma_start3A_124 : memref<128x128xf32, #tpu.memory_space<hbm>>) target_semaphore(%dma_start3A_122 : memref<!tpu.dma_semaphore, #tpu.memory_space<semaphore_mem>>)
    %dma_wait3A_129 = arith.constant 1 : i32
    %dma_wait3A_130 = arith.constant 1 : i32
    %dma_wait3A_131 = arith.constant 0 : i32
    %dma_wait3A_132 = arith.constant 0 : i32
    %dma_wait3A_133 = tpu.memref_slice %arg6[%dma_wait3A_129, %dma_wait3A_131, %dma_wait3A_132] : memref<4x128x128xf32, #tpu.memory_space<vmem>> -> memref<1x128x128xf32, #tpu.memory_space<vmem>>
    %dma_wait3A_134 = tpu.memref_squeeze %dma_wait3A_133 : memref<1x128x128xf32, #tpu.memory_space<vmem>> -> memref<128x128xf32, #tpu.memory_space<vmem>>
    %dma_wait3A_135 = arith.constant 0 : i32
    %dma_wait3A_136 = tpu.memref_slice %arg4[%multiple_of3A_88, %dma_wait3A_135] : memref<2097152x128xf32, #tpu.memory_space<hbm>> -> memref<128x128xf32, #tpu.memory_space<hbm>>
    %dma_wait3A_137 = tpu.memref_slice %arg8[%dma_wait3A_130] : memref<4x!tpu.dma_semaphore, #tpu.memory_space<semaphore_mem>> -> memref<1x!tpu.dma_semaphore, #tpu.memory_space<semaphore_mem>>
    %dma_wait3A_138 = tpu.memref_squeeze %dma_wait3A_137 : memref<1x!tpu.dma_semaphore, #tpu.memory_space<semaphore_mem>> -> memref<!tpu.dma_semaphore, #tpu.memory_space<semaphore_mem>>
    %dma_wait3A_139 = arith.constant 0 : i32
    %dma_wait3A_140 = tpu.memref_slice %arg4[%multiple_of3A_88, %dma_wait3A_139] : memref<2097152x128xf32, #tpu.memory_space<hbm>> -> memref<128x128xf32, #tpu.memory_space<hbm>>
    %dma_wait3A_141 = arith.constant 0 : i32
    %dma_wait3A_142 = arith.constant 0 : i32
    %dma_wait3A_143 = tpu.memref_slice %arg6[%dma_wait3A_129, %dma_wait3A_141, %dma_wait3A_142] : memref<4x128x128xf32, #tpu.memory_space<vmem>> -> memref<1x128x128xf32, #tpu.memory_space<vmem>>
    %dma_wait3A_144 = tpu.memref_squeeze %dma_wait3A_143 : memref<1x128x128xf32, #tpu.memory_space<vmem>> -> memref<128x128xf32, #tpu.memory_space<vmem>>
    tpu.wait_dma2 semaphore(%dma_wait3A_138 : memref<!tpu.dma_semaphore, #tpu.memory_space<semaphore_mem>>) src(%dma_wait3A_144 : memref<128x128xf32, #tpu.memory_space<vmem>>) dst(%dma_wait3A_140 : memref<128x128xf32, #tpu.memory_space<hbm>>)
    %add3A_145 = arith.constant 510 : i32
    %add3A_146 = arith.addi %mul3A_2, %add3A_145 : i32
    %mul3A_147 = arith.constant 128 : i32
    %mul3A_148 = arith.muli %add3A_146, %mul3A_147 : i32
    %multiple_of3A_149 = tpu.assume_multiple %mul3A_148, 128 : i32
    %dma_wait3A_150 = arith.constant 0 : i32
    %dma_wait3A_151 = arith.constant 0 : i32
    %dma_wait3A_152 = arith.constant 2 : i32
    %dma_wait3A_153 = arith.constant 2 : i32
    %dma_wait3A_154 = arith.constant 0 : i32
    %dma_wait3A_155 = arith.constant 0 : i32
    %dma_wait3A_156 = tpu.memref_slice %arg6[%dma_wait3A_152, %dma_wait3A_154, %dma_wait3A_155] : memref<4x128x128xf32, #tpu.memory_space<vmem>> -> memref<1x128x128xf32, #tpu.memory_space<vmem>>
    %dma_wait3A_157 = tpu.memref_squeeze %dma_wait3A_156 : memref<1x128x128xf32, #tpu.memory_space<vmem>> -> memref<128x128xf32, #tpu.memory_space<vmem>>
    %dma_wait3A_158 = arith.constant 0 : i32
    %dma_wait3A_159 = arith.constant 0 : i32
    %dma_wait3A_160 = tpu.memref_slice %arg5[%dma_wait3A_150, %dma_wait3A_158, %dma_wait3A_159] : memref<2x32x128xi32, #tpu.memory_space<vmem>> -> memref<1x32x128xi32, #tpu.memory_space<vmem>>
    %dma_wait3A_161 = tpu.memref_squeeze %dma_wait3A_160 : memref<1x32x128xi32, #tpu.memory_space<vmem>> -> memref<32x128xi32, #tpu.memory_space<vmem>>
    %dma_wait3A_162 = arith.constant 0 : i32
    %dma_wait3A_163 = tpu.memref_slice %dma_wait3A_161[%dma_wait3A_151, %dma_wait3A_162] : memref<32x128xi32, #tpu.memory_space<vmem>> -> memref<1x128xi32, #tpu.memory_space<vmem>>
    %dma_wait3A_164 = tpu.memref_squeeze %dma_wait3A_163 : memref<1x128xi32, #tpu.memory_space<vmem>> -> memref<128xi32, #tpu.memory_space<vmem>>
    %dma_wait3A_165 = arith.constant 0 : i32
    %dma_wait3A_166 = arith.constant 0 : i32
    %dma_wait3A_167 = tpu.memref_slice %arg10[%arg1, %dma_wait3A_165, %dma_wait3A_166] : memref<16x4x128xf32, #tpu.memory_space<vmem_shared>> -> memref<1x4x128xf32, #tpu.memory_space<vmem_shared>>
    %dma_wait3A_168 = tpu.memref_squeeze %dma_wait3A_167 : memref<1x4x128xf32, #tpu.memory_space<vmem_shared>> -> memref<4x128xf32, #tpu.memory_space<vmem_shared>>
    %dma_wait3A_169 = arith.constant 0 : i32
    %dma_wait3A_170 = arith.constant 0 : i32
    %dma_wait3A_171 = tpu.memref_slice %dma_wait3A_168[%dma_wait3A_169, %dma_wait3A_170] : memref<4x128xf32, #tpu.memory_space<vmem_shared>> -> memref<4x128xf32, #tpu.memory_space<vmem_shared>>
    %dma_wait3A_172 = tpu.memref_slice %arg7[%dma_wait3A_153] : memref<4x!tpu.dma_semaphore, #tpu.memory_space<semaphore_mem>> -> memref<1x!tpu.dma_semaphore, #tpu.memory_space<semaphore_mem>>
    %dma_wait3A_173 = tpu.memref_squeeze %dma_wait3A_172 : memref<1x!tpu.dma_semaphore, #tpu.memory_space<semaphore_mem>> -> memref<!tpu.dma_semaphore, #tpu.memory_space<semaphore_mem>>
    tpu.wait_indirect_dma semaphore(%dma_wait3A_173 : memref<!tpu.dma_semaphore, #tpu.memory_space<semaphore_mem>>) src(%dma_wait3A_171 : memref<4x128xf32, #tpu.memory_space<vmem_shared>>) dst(%dma_wait3A_157 : memref<128x128xf32, #tpu.memory_space<vmem>>)
    %dma_start3A_174 = arith.constant 2 : i32
    %dma_start3A_175 = arith.constant 2 : i32
    %dma_start3A_176 = arith.constant 0 : i32
    %dma_start3A_177 = arith.constant 0 : i32
    %dma_start3A_178 = tpu.memref_slice %arg6[%dma_start3A_174, %dma_start3A_176, %dma_start3A_177] : memref<4x128x128xf32, #tpu.memory_space<vmem>> -> memref<1x128x128xf32, #tpu.memory_space<vmem>>
    %dma_start3A_179 = tpu.memref_squeeze %dma_start3A_178 : memref<1x128x128xf32, #tpu.memory_space<vmem>> -> memref<128x128xf32, #tpu.memory_space<vmem>>
    %dma_start3A_180 = arith.constant 0 : i32
    %dma_start3A_181 = tpu.memref_slice %arg4[%multiple_of3A_149, %dma_start3A_180] : memref<2097152x128xf32, #tpu.memory_space<hbm>> -> memref<128x128xf32, #tpu.memory_space<hbm>>
    %dma_start3A_182 = tpu.memref_slice %arg8[%dma_start3A_175] : memref<4x!tpu.dma_semaphore, #tpu.memory_space<semaphore_mem>> -> memref<1x!tpu.dma_semaphore, #tpu.memory_space<semaphore_mem>>
    %dma_start3A_183 = tpu.memref_squeeze %dma_start3A_182 : memref<1x!tpu.dma_semaphore, #tpu.memory_space<semaphore_mem>> -> memref<!tpu.dma_semaphore, #tpu.memory_space<semaphore_mem>>
    %dma_start3A_184 = arith.constant 0 : i32
    %dma_start3A_185 = tpu.memref_slice %arg4[%multiple_of3A_149, %dma_start3A_184] : memref<2097152x128xf32, #tpu.memory_space<hbm>> -> memref<128x128xf32, #tpu.memory_space<hbm>>
    %dma_start3A_186 = arith.constant 0 : i32
    %dma_start3A_187 = arith.constant 0 : i32
    %dma_start3A_188 = tpu.memref_slice %arg6[%dma_start3A_174, %dma_start3A_186, %dma_start3A_187] : memref<4x128x128xf32, #tpu.memory_space<vmem>> -> memref<1x128x128xf32, #tpu.memory_space<vmem>>
    %dma_start3A_189 = tpu.memref_squeeze %dma_start3A_188 : memref<1x128x128xf32, #tpu.memory_space<vmem>> -> memref<128x128xf32, #tpu.memory_space<vmem>>
    tpu.enqueue_dma source(%dma_start3A_189 : memref<128x128xf32, #tpu.memory_space<vmem>>) target(%dma_start3A_185 : memref<128x128xf32, #tpu.memory_space<hbm>>) target_semaphore(%dma_start3A_183 : memref<!tpu.dma_semaphore, #tpu.memory_space<semaphore_mem>>)
    %dma_wait3A_190 = arith.constant 2 : i32
    %dma_wait3A_191 = arith.constant 2 : i32
    %dma_wait3A_192 = arith.constant 0 : i32
    %dma_wait3A_193 = arith.constant 0 : i32
    %dma_wait3A_194 = tpu.memref_slice %arg6[%dma_wait3A_190, %dma_wait3A_192, %dma_wait3A_193] : memref<4x128x128xf32, #tpu.memory_space<vmem>> -> memref<1x128x128xf32, #tpu.memory_space<vmem>>
    %dma_wait3A_195 = tpu.memref_squeeze %dma_wait3A_194 : memref<1x128x128xf32, #tpu.memory_space<vmem>> -> memref<128x128xf32, #tpu.memory_space<vmem>>
    %dma_wait3A_196 = arith.constant 0 : i32
    %dma_wait3A_197 = tpu.memref_slice %arg4[%multiple_of3A_149, %dma_wait3A_196] : memref<2097152x128xf32, #tpu.memory_space<hbm>> -> memref<128x128xf32, #tpu.memory_space<hbm>>
    %dma_wait3A_198 = tpu.memref_slice %arg8[%dma_wait3A_191] : memref<4x!tpu.dma_semaphore, #tpu.memory_space<semaphore_mem>> -> memref<1x!tpu.dma_semaphore, #tpu.memory_space<semaphore_mem>>
    %dma_wait3A_199 = tpu.memref_squeeze %dma_wait3A_198 : memref<1x!tpu.dma_semaphore, #tpu.memory_space<semaphore_mem>> -> memref<!tpu.dma_semaphore, #tpu.memory_space<semaphore_mem>>
    %dma_wait3A_200 = arith.constant 0 : i32
    %dma_wait3A_201 = tpu.memref_slice %arg4[%multiple_of3A_149, %dma_wait3A_200] : memref<2097152x128xf32, #tpu.memory_space<hbm>> -> memref<128x128xf32, #tpu.memory_space<hbm>>
    %dma_wait3A_202 = arith.constant 0 : i32
    %dma_wait3A_203 = arith.constant 0 : i32
    %dma_wait3A_204 = tpu.memref_slice %arg6[%dma_wait3A_190, %dma_wait3A_202, %dma_wait3A_203] : memref<4x128x128xf32, #tpu.memory_space<vmem>> -> memref<1x128x128xf32, #tpu.memory_space<vmem>>
    %dma_wait3A_205 = tpu.memref_squeeze %dma_wait3A_204 : memref<1x128x128xf32, #tpu.memory_space<vmem>> -> memref<128x128xf32, #tpu.memory_space<vmem>>
    tpu.wait_dma2 semaphore(%dma_wait3A_199 : memref<!tpu.dma_semaphore, #tpu.memory_space<semaphore_mem>>) src(%dma_wait3A_205 : memref<128x128xf32, #tpu.memory_space<vmem>>) dst(%dma_wait3A_201 : memref<128x128xf32, #tpu.memory_space<hbm>>)
    %add3A_206 = arith.constant 511 : i32
    %add3A_207 = arith.addi %mul3A_2, %add3A_206 : i32
    %mul3A_208 = arith.constant 128 : i32
    %mul3A_209 = arith.muli %add3A_207, %mul3A_208 : i32
    %multiple_of3A_210 = tpu.assume_multiple %mul3A_209, 128 : i32
    %dma_wait3A_211 = arith.constant 0 : i32
    %dma_wait3A_212 = arith.constant 0 : i32
    %dma_wait3A_213 = arith.constant 3 : i32
    %dma_wait3A_214 = arith.constant 3 : i32
    %dma_wait3A_215 = arith.constant 0 : i32
    %dma_wait3A_216 = arith.constant 0 : i32
    %dma_wait3A_217 = tpu.memref_slice %arg6[%dma_wait3A_213, %dma_wait3A_215, %dma_wait3A_216] : memref<4x128x128xf32, #tpu.memory_space<vmem>> -> memref<1x128x128xf32, #tpu.memory_space<vmem>>
    %dma_wait3A_218 = tpu.memref_squeeze %dma_wait3A_217 : memref<1x128x128xf32, #tpu.memory_space<vmem>> -> memref<128x128xf32, #tpu.memory_space<vmem>>
    %dma_wait3A_219 = arith.constant 0 : i32
    %dma_wait3A_220 = arith.constant 0 : i32
    %dma_wait3A_221 = tpu.memref_slice %arg5[%dma_wait3A_211, %dma_wait3A_219, %dma_wait3A_220] : memref<2x32x128xi32, #tpu.memory_space<vmem>> -> memref<1x32x128xi32, #tpu.memory_space<vmem>>
    %dma_wait3A_222 = tpu.memref_squeeze %dma_wait3A_221 : memref<1x32x128xi32, #tpu.memory_space<vmem>> -> memref<32x128xi32, #tpu.memory_space<vmem>>
    %dma_wait3A_223 = arith.constant 0 : i32
    %dma_wait3A_224 = tpu.memref_slice %dma_wait3A_222[%dma_wait3A_212, %dma_wait3A_223] : memref<32x128xi32, #tpu.memory_space<vmem>> -> memref<1x128xi32, #tpu.memory_space<vmem>>
    %dma_wait3A_225 = tpu.memref_squeeze %dma_wait3A_224 : memref<1x128xi32, #tpu.memory_space<vmem>> -> memref<128xi32, #tpu.memory_space<vmem>>
    %dma_wait3A_226 = arith.constant 0 : i32
    %dma_wait3A_227 = arith.constant 0 : i32
    %dma_wait3A_228 = tpu.memref_slice %arg10[%arg1, %dma_wait3A_226, %dma_wait3A_227] : memref<16x4x128xf32, #tpu.memory_space<vmem_shared>> -> memref<1x4x128xf32, #tpu.memory_space<vmem_shared>>
    %dma_wait3A_229 = tpu.memref_squeeze %dma_wait3A_228 : memref<1x4x128xf32, #tpu.memory_space<vmem_shared>> -> memref<4x128xf32, #tpu.memory_space<vmem_shared>>
    %dma_wait3A_230 = arith.constant 0 : i32
    %dma_wait3A_231 = arith.constant 0 : i32
    %dma_wait3A_232 = tpu.memref_slice %dma_wait3A_229[%dma_wait3A_230, %dma_wait3A_231] : memref<4x128xf32, #tpu.memory_space<vmem_shared>> -> memref<4x128xf32, #tpu.memory_space<vmem_shared>>
    %dma_wait3A_233 = tpu.memref_slice %arg7[%dma_wait3A_214] : memref<4x!tpu.dma_semaphore, #tpu.memory_space<semaphore_mem>> -> memref<1x!tpu.dma_semaphore, #tpu.memory_space<semaphore_mem>>
    %dma_wait3A_234 = tpu.memref_squeeze %dma_wait3A_233 : memref<1x!tpu.dma_semaphore, #tpu.memory_space<semaphore_mem>> -> memref<!tpu.dma_semaphore, #tpu.memory_space<semaphore_mem>>
    tpu.wait_indirect_dma semaphore(%dma_wait3A_234 : memref<!tpu.dma_semaphore, #tpu.memory_space<semaphore_mem>>) src(%dma_wait3A_232 : memref<4x128xf32, #tpu.memory_space<vmem_shared>>) dst(%dma_wait3A_218 : memref<128x128xf32, #tpu.memory_space<vmem>>)
    %dma_start3A_235 = arith.constant 3 : i32
    %dma_start3A_236 = arith.constant 3 : i32
    %dma_start3A_237 = arith.constant 0 : i32
    %dma_start3A_238 = arith.constant 0 : i32
    %dma_start3A_239 = tpu.memref_slice %arg6[%dma_start3A_235, %dma_start3A_237, %dma_start3A_238] : memref<4x128x128xf32, #tpu.memory_space<vmem>> -> memref<1x128x128xf32, #tpu.memory_space<vmem>>
    %dma_start3A_240 = tpu.memref_squeeze %dma_start3A_239 : memref<1x128x128xf32, #tpu.memory_space<vmem>> -> memref<128x128xf32, #tpu.memory_space<vmem>>
    %dma_start3A_241 = arith.constant 0 : i32
    %dma_start3A_242 = tpu.memref_slice %arg4[%multiple_of3A_210, %dma_start3A_241] : memref<2097152x128xf32, #tpu.memory_space<hbm>> -> memref<128x128xf32, #tpu.memory_space<hbm>>
    %dma_start3A_243 = tpu.memref_slice %arg8[%dma_start3A_236] : memref<4x!tpu.dma_semaphore, #tpu.memory_space<semaphore_mem>> -> memref<1x!tpu.dma_semaphore, #tpu.memory_space<semaphore_mem>>
    %dma_start3A_244 = tpu.memref_squeeze %dma_start3A_243 : memref<1x!tpu.dma_semaphore, #tpu.memory_space<semaphore_mem>> -> memref<!tpu.dma_semaphore, #tpu.memory_space<semaphore_mem>>
    %dma_start3A_245 = arith.constant 0 : i32
    %dma_start3A_246 = tpu.memref_slice %arg4[%multiple_of3A_210, %dma_start3A_245] : memref<2097152x128xf32, #tpu.memory_space<hbm>> -> memref<128x128xf32, #tpu.memory_space<hbm>>
    %dma_start3A_247 = arith.constant 0 : i32
    %dma_start3A_248 = arith.constant 0 : i32
    %dma_start3A_249 = tpu.memref_slice %arg6[%dma_start3A_235, %dma_start3A_247, %dma_start3A_248] : memref<4x128x128xf32, #tpu.memory_space<vmem>> -> memref<1x128x128xf32, #tpu.memory_space<vmem>>
    %dma_start3A_250 = tpu.memref_squeeze %dma_start3A_249 : memref<1x128x128xf32, #tpu.memory_space<vmem>> -> memref<128x128xf32, #tpu.memory_space<vmem>>
    tpu.enqueue_dma source(%dma_start3A_250 : memref<128x128xf32, #tpu.memory_space<vmem>>) target(%dma_start3A_246 : memref<128x128xf32, #tpu.memory_space<hbm>>) target_semaphore(%dma_start3A_244 : memref<!tpu.dma_semaphore, #tpu.memory_space<semaphore_mem>>)
    %dma_wait3A_251 = arith.constant 3 : i32
    %dma_wait3A_252 = arith.constant 3 : i32
    %dma_wait3A_253 = arith.constant 0 : i32
    %dma_wait3A_254 = arith.constant 0 : i32
    %dma_wait3A_255 = tpu.memref_slice %arg6[%dma_wait3A_251, %dma_wait3A_253, %dma_wait3A_254] : memref<4x128x128xf32, #tpu.memory_space<vmem>> -> memref<1x128x128xf32, #tpu.memory_space<vmem>>
    %dma_wait3A_256 = tpu.memref_squeeze %dma_wait3A_255 : memref<1x128x128xf32, #tpu.memory_space<vmem>> -> memref<128x128xf32, #tpu.memory_space<vmem>>
    %dma_wait3A_257 = arith.constant 0 : i32
    %dma_wait3A_258 = tpu.memref_slice %arg4[%multiple_of3A_210, %dma_wait3A_257] : memref<2097152x128xf32, #tpu.memory_space<hbm>> -> memref<128x128xf32, #tpu.memory_space<hbm>>
    %dma_wait3A_259 = tpu.memref_slice %arg8[%dma_wait3A_252] : memref<4x!tpu.dma_semaphore, #tpu.memory_space<semaphore_mem>> -> memref<1x!tpu.dma_semaphore, #tpu.memory_space<semaphore_mem>>
    %dma_wait3A_260 = tpu.memref_squeeze %dma_wait3A_259 : memref<1x!tpu.dma_semaphore, #tpu.memory_space<semaphore_mem>> -> memref<!tpu.dma_semaphore, #tpu.memory_space<semaphore_mem>>
    %dma_wait3A_261 = arith.constant 0 : i32
    %dma_wait3A_262 = tpu.memref_slice %arg4[%multiple_of3A_210, %dma_wait3A_261] : memref<2097152x128xf32, #tpu.memory_space<hbm>> -> memref<128x128xf32, #tpu.memory_space<hbm>>
    %dma_wait3A_263 = arith.constant 0 : i32
    %dma_wait3A_264 = arith.constant 0 : i32
    %dma_wait3A_265 = tpu.memref_slice %arg6[%dma_wait3A_251, %dma_wait3A_263, %dma_wait3A_264] : memref<4x128x128xf32, #tpu.memory_space<vmem>> -> memref<1x128x128xf32, #tpu.memory_space<vmem>>
    %dma_wait3A_266 = tpu.memref_squeeze %dma_wait3A_265 : memref<1x128x128xf32, #tpu.memory_space<vmem>> -> memref<128x128xf32, #tpu.memory_space<vmem>>
    tpu.wait_dma2 semaphore(%dma_wait3A_260 : memref<!tpu.dma_semaphore, #tpu.memory_space<semaphore_mem>>) src(%dma_wait3A_266 : memref<128x128xf32, #tpu.memory_space<vmem>>) dst(%dma_wait3A_262 : memref<128x128xf32, #tpu.memory_space<hbm>>)
    return
  }
}

</mosaic_0001>

<sc_bundles>
// kernel: kernel.3.cloned.1.call-start
scs
__scs_entry_jumppad:
0x0: {  	(pc) =	sbr.rel $0x88, $3  }
0x1: {  	(tag) =	ssettag $0x0;
	lr =	simm.s32 $0x1  }
0x2: {  	[smem:$0x3F9F] =	sst lr;
	_ =	strace $0xD0000000  }
0x3: {  	_ = 	snop  }
0x4: {  	_ = 	snop  }
0x5: {  	_ = 	snop  }
0x6: {  	_ = 	snop  }
0x7: {  	_ = 	snop  }
__scs_overlays_trampoline_lowered:
0x8: {  	[smem:$0x3FAE] =	sst s0  }
0x9: {  	[smem:$0x3FAF] =	sst s1  }
0xa: {  	[smem:$0x3FB0] =	sst s2  }
0xb: {  	[smem:$0x3FB1] =	sst s3  }
0xc: {  	[smem:$0x3FB2] =	sst s4  }
0xd: {  	[smem:$0x3FB3] =	sst s5  }
0xe: {  	[smem:$0x3FB4] =	sst s6  }
0xf: {  	[smem:$0x3FB5] =	sst s7  }
0x10: {  	[smem:$0x3FB6] =	sst s8  }
0x11: {  	[smem:$0x3FB7] =	sst s9;
	s0 =	simm.s32 @!p0 $0x0  }
0x12: {  	s1 =	sld [smem:$0x3F9D];
	s0 =	simm.s32 @p0 $0x1  }
0x13: {  	[smem:$0x3FB8] =	sst s0;
	s0 =	simm.s32 @!p1 $0x0  }
0x14: {  	s2 =	sld [smem:$0x3F9C];
	s0 =	simm.s32 @p1 $0x1  }
0x15: {  	[smem:$0x3FB9] =	sst s0;
	s0 =	simm.s32 @!p2 $0x0  }
0x16: {  	s3 =	sld [smem:$0x3FDB];
	s0 =	simm.s32 @p2 $0x1  }
0x17: {  	s4 =	simm.s32 $0x1BF5;
	[smem:$0x3FBB] =	sst s0  }
0x18: {  	s0 =	sld [smem:$0x3F9E];
	_ =	swait.ge [sflag:s4], $0x0  }
0x19: {  	s7 =	sld [smem:$0x3F9F]  }
0x1a: {  	s8 =	sadd.s32 $0xFFFFE003, lr  }
0x1b: {  	s9 =	sadd.s32 $0xFFFFFEF7, lr;
	s5 =	simm.s32 $0xFFFFFFFF;
	p2 =	slt.u32 s8, $0xFFFFF086  }
0x1c: {  	p1 =	slt.u32 s9, $0xF7A;
	s5 =	simm.s32 @!p2 $0x0  }
0x1d: {  	s5 =	simm.s32 @p1 $0x1;
	p0 =	seq.s32 s7, s2  }
0x1e: {  	s7 =	smul.u32 @!p0 $0xF7A, s2;
	p2 =	seq.s32 @!p0 s5, $0x0  }
0x1f: {  	s9 =	smul.u32 $0xF7A, s1;
	s8 =	simm.s32 @!p0 $0x1BF5;
	p2 =	por !p2, p0  }
0x20: {  	[sflag:s8] =	ssyncset.s32 @!p0 $0xFFFFF086;
	s6 =	sadd.s32 @!p0 s3, s7;
	s7 =	simm.s32 @!p0 $0x108  }
0x21: {  	s3 =	sadd.s32 s3, s9;
	s6 =	sadd.s32 @!p0 $0x88, s6;
	s7 =	simm.s32 @p2 $0x1082  }
0x22: {  	[simem:s7], [sflag:s8] =	dma.local @!p0 [hbm:s6], $0xF7A  }
0x23: {  	s9 =	sor.u32 $0xD0000000, s2;
	s6 =	simm.s32 $0x108;
	_ =	swait.ge @!p0 [sflag:s8], $0x0  }
0x24: {  	s3 =	sadd.s32 $0x88, s3;
	s6 =	simm.s32 @!p1 $0x1082;
	[sflag:s4] =	ssyncset.s32 $0xFFFFF086  }
0x25: {  	[simem:s6], [sflag:s4] =	dma.local [hbm:s3], $0xF7A  }
0x26: {  	[smem:$0x3F9F] =	sst s1;
	(tag) =	ssettag s2;
	_ =	strace s9  }
0x27: {  	s1 =	sld [smem:$0x3FAF]  }
0x28: {  	s2 =	sld [smem:$0x3FB0]  }
0x29: {  	s4 =	sld [smem:$0x3FB2]  }
0x2a: {  	p0 =	seq.s32 s5, $0x0;
	s5 =	sld [smem:$0x3FB3]  }
0x2b: {  	s6 =	sld [smem:$0x3FB4]  }
0x2c: {  	s7 =	sld [smem:$0x3FB5]  }
0x2d: {  	s3 =	simm.s32 $0x108;
	s8 =	sld [smem:$0x3FB6]  }
0x2e: {  	s3 =	simm.s32 @!p0 $0x1082;
	s9 =	sld [smem:$0x3FB7]  }
0x2f: {  	lr =	sadd.s32 s0, s3;
	s0 =	sld [smem:$0x3FAE]  }
0x30: {  	s3 =	sld [smem:$0x3FB1]  }
0x31: {  	[smem:$0x3FBA] =	sst s10  }
0x32: {  	s10 =	sld [smem:$0x3FB8];
	_ =	sdelay $0x3  }
0x33: {  	p0 =	seq.s32 s10, $0x1;
	s10 =	sld [smem:$0x3FBA];
	_ =	sdelay $0x3  }
0x34: {  	[smem:$0x3FBA] =	sst s10  }
0x35: {  	s10 =	sld [smem:$0x3FB9];
	_ =	sdelay $0x3  }
0x36: {  	p1 =	seq.s32 s10, $0x1;
	s10 =	sld [smem:$0x3FBA];
	_ =	sdelay $0x3  }
0x37: {  	[smem:$0x3FBA] =	sst s10  }
0x38: {  	s10 =	sld [smem:$0x3FBB]  }
0x39: {  	_ = 	snop;
	(pc) =	sbr.ind lr, $3  }
0x3a: {  	_ = 	snop  }
0x3b: {  	_ = 	snop  }
0x3c: {  	p2 =	seq.s32 s10, $0x1;
	s10 =	sld [smem:$0x3FBA]  }
0x3d: {  	_ =	shalt  }
0x3e: {  	_ =	shalt  }
0x3f: {  	_ =	shalt  }
0x40: {  	_ =	shalt  }
0x41: {  	_ =	shalt  }
0x42: {  	_ =	shalt  }
0x43: {  	_ =	shalt  }
0x44: {  	_ =	shalt  }
0x45: {  	_ =	shalt  }
0x46: {  	_ =	shalt  }
0x47: {  	_ =	shalt  }
0x48: {  	_ =	shalt  }
0x49: {  	_ =	shalt  }
0x4a: {  	_ =	shalt  }
0x4b: {  	_ =	shalt  }
0x4c: {  	_ =	shalt  }
0x4d: {  	_ =	shalt  }
0x4e: {  	_ =	shalt  }
0x4f: {  	_ =	shalt  }
0x50: {  	_ =	shalt  }
0x51: {  	_ =	shalt  }
0x52: {  	_ =	shalt  }
0x53: {  	_ =	shalt  }
0x54: {  	_ =	shalt  }
0x55: {  	_ =	shalt  }
0x56: {  	_ =	shalt  }
0x57: {  	_ =	shalt  }
0x58: {  	_ =	shalt  }
0x59: {  	_ =	shalt  }
0x5a: {  	_ =	shalt  }
0x5b: {  	_ =	shalt  }
0x5c: {  	_ =	shalt  }
0x5d: {  	_ =	shalt  }
0x5e: {  	_ =	shalt  }
0x5f: {  	_ =	shalt  }
0x60: {  	_ =	shalt  }
0x61: {  	_ =	shalt  }
0x62: {  	_ =	shalt  }
0x63: {  	_ =	shalt  }
0x64: {  	_ =	shalt  }
0x65: {  	_ =	shalt  }
0x66: {  	_ =	shalt  }
0x67: {  	_ =	shalt  }
0x68: {  	_ =	shalt  }
0x69: {  	_ =	shalt  }
0x6a: {  	_ =	shalt  }
0x6b: {  	_ =	shalt  }
0x6c: {  	_ =	shalt  }
0x6d: {  	_ =	shalt  }
0x6e: {  	_ =	shalt  }
0x6f: {  	_ =	shalt  }
0x70: {  	_ =	shalt  }
0x71: {  	_ =	shalt  }
0x72: {  	_ =	shalt  }
0x73: {  	_ =	shalt  }
0x74: {  	_ =	shalt  }
0x75: {  	_ =	shalt  }
0x76: {  	_ =	shalt  }
0x77: {  	_ =	shalt  }
0x78: {  	_ =	shalt  }
0x79: {  	_ =	shalt  }
0x7a: {  	_ =	shalt  }
0x7b: {  	_ =	shalt  }
0x7c: {  	_ =	shalt  }
0x7d: {  	_ =	shalt  }
0x7e: {  	_ =	shalt  }
0x7f: {  	_ =	shalt  }
0x80: {  	_ =	shalt  }
0x81: {  	_ =	shalt  }
0x82: {  	_ =	shalt  }
0x83: {  	_ =	shalt  }
0x84: {  	_ =	shalt  }
0x85: {  	_ =	shalt  }
0x86: {  	_ =	shalt  }
0x87: {  	_ =	shalt  }
.Lfunc_end0:
.L_simem_size_0:
called_computation_lowered:
.L_overlay_start_0:
0x88: {  	s2 =	sld [smem:$0x3FD9]  }
0x89: {  	s3 =	sld [smem:$0x3FFE];
	_ =	sdelay $0x1  }
0x8a: {  	s1 =	srdreg.scid  }
0x8b: {  	s0 =	sand.u32 $0x1, s1  }
0x8c: {  	s17 =	sshll.u32 s0, $0xA;
	s2 =	sadd.s32 s3, s2  }
0x8d: {  	s2 =	sadd.s32 s2, s17  }
0x8e: {  	[smem:$0x3FC6] =	sst s2  }
0x8f: {  	_ = 	snop  }
0x90: {  	s2 =	sld [smem:$0x3FC8]  }
0x91: {  	s18 =	sld [smem:$0x3FD0];
	(tm) =	ssettm $0x1  }
0x92: {  	s4 =	sld [smem:$0x3FFB];
	_ =	sdelay $0x3  }
0x93: {  	_ =	strace s4  }
0x94: {  	s4 =	sld [smem:$0x3FFC];
	_ =	sdelay $0x3  }
0x95: {  	_ =	strace s4  }
0x96: {  	s4 =	sld [smem:$0x3FFD];
	_ =	sdelay $0x3  }
0x97: {  	_ =	strace s4  }
0x98: {  	_ =	strace $0x8FFFFFFF  }
0x99: {  	s19 =	sld [smem:$0x3FDB];
	_ =	sdelay $0x1  }
0x9a: {  	s5 =	simm.s32 $_scs_section_size  }
0x9b: {  	s6 =	simm.s32 $_size__tile_overlayer_lowered;
	s7 =	simm.s32 $_tile_overlayer_lowered  }
0x9c: {  	s22 =	simm.s32 $0x1BFF;
	s21 =	sshll.u32 s7, $0x1;
	s4 =	sadd.s32 s5, s19  }
0x9d: {  	s8 =	simm.s32 $0x0;
	s20 =	sshll.u32 s6, $0x1;
	s6 =	sadd.s32 s21, s4  }
0x9e: {  	[timem:s8], [sflag:s22] =	dma.local [hbm:s6], s20  }
0x9f: {  	_ =	swait.ge [sflag:s22], s20  }
0xa0: {  	s5 =	ssub.s32 $0x0, s20;
	[sflag:s22] =	ssyncset.done $0x0  }
0xa1: {  	[sflag:s22] =	ssyncadd.s32 s5;
	_ =	sdelay $0x1  }
0xa2: {  	s23 =	simm.s32 $0x1B8B  }
0xa3: {  	_ =	swait.ge [sflag:s23], $0x1  }
0xa4: {  	[sflag:s23] =	ssyncset.done $0x0  }
0xa5: {  	s25 =	simm.s32 $0x1B8E;
	s24 =	sld [smem:$0x3FFE];
	[sflag:s23] =	ssyncadd.s32 $0xFFFFFFFF  }
0xa6: {  	s26 =	simm.s32 $execute0_lowered;
	[smem:$0x3FD2] =	sst s25  }
0xa7: {  	s6 =	sshll.u32 s26, $0x1;
	_ =	strace $0x80000046;
	[dreg:$0x1] =	wrdreg $0xFFFFFFFF  }
0xa8: {  	s28 =	simm.s32 $_size_execute0_lowered;
	s4 =	sadd.s32 s4, s6;
	[dreg:$0x0] =	wrdreg $0x0  }
0xa9: {  	s6 =	sshll.u32 s28, $0x1;
	[dreg:$0x2] =	wrdreg s4  }
0xaa: {  	[dreg:$0x3] =	wrdreg s6  }
0xab: {  	[dreg:$0x4] =	wrdreg $0xC0  }
0xac: {  	_ =	task [dreg:s8], $0x5FFFF  }
0xad: {  	[dreg:$0x1] =	wrdreg $0xFFFFFFFF  }
0xae: {  	[dreg:$0x0] =	wrdreg $0x60  }
0xaf: {  	[dreg:$0x2] =	wrdreg s24  }
0xb0: {  	[dreg:$0x3] =	wrdreg s2  }
0xb1: {  	[dreg:$0x4] =	wrdreg s18  }
0xb2: {  	[dreg:$0x5] =	wrdreg $0x120000  }
0xb3: {  	[dreg:$0x6] =	wrdreg $0x9  }
0xb4: {  	_ =	task.clear_ibuf [dreg:s8], $0x7FFFF;
	_ =	strace $0x90000046  }
0xb5: {  	s29 =	simm.s32 $0x9;
	_ =	strace $0x80000048  }
0xb6: {  	_ =	swait.ge [sflag:s29], $0x1  }
0xb7: {  	[sflag:s29] =	ssyncadd.s32 $0xFFFFFFFF  }
0xb8: {  	_ =	strace $0x90000048  }
0xb9: {  	_ =	sfence  }
0xba: {  	s30 =	sld [smem:$0x0];
	_ =	sdelay $0x2  }
0xbb: {  	s31 =	sshll.u32 s1, $0xD;
	s1 =	sshrl.u32 s1, $0x2  }
0xbc: {  	s3 =	sand.u32 $0x4000, s31;
	s1 =	sadd.s32 s1, s30  }
0xbd: {  	s0 =	sor.u32 s3, s0;
	s1 =	sshll.u32 s1, $0x11  }
0xbe: {  	s0 =	sor.u32 s1, s0  }
0xbf: {  	s0 =	sadd.s32 $0x8F2B, s0  }
0xc0: {  	[sflag:s0] =	ssyncadd.remote.s32 $0x1  }
0xc1: {  	_ =	sfence.sel $0xFFFF  }
0xc2: {  	[dreg:$0x0] =	wrdreg $0xFFFFFFFF;
	(pc) =	sbr.abs _section_cstart, $3  }
0xc3: {  	[dreg:$0x1] =	wrdreg $0xFFFFFFFF  }
0xc4: {  	_ =	task.clear_ibuf [dreg:s8], $0x2FFFF;
	_ =	strace $0x9FFFFFFF  }
0xc5: {  	(tm) =	ssettm $0x7FFFFFFF  }
tec
execute0_lowered:
.L_overlay_start_1:
0x0: {  	(tag) =	ssettag $0x1  }
0x1: {  	s0 =	rddreg [dreg:$0x0]  }
0x2: {  	s3 =	rddreg [dreg:$0x2]  }
0x3: {  	s1 =	rddreg [dreg:$0x3]  }
0x4: {  	s2 =	srdreg.scid;
	s10 =	stileid.u32;
	s4 =	simm.s32 $0x0  }
0x5: {  	s28 =	simm.s32 $0x2;
	s29 =	simm.s32 $0x6;
	s30 =	simm.s32 $0x3  }
0x6: {  	s31 =	simm.s32 $0x7;
	s2 =	sand.u32 $0x1, s2;
	s5 =	sshll.u32 s10, $0xA  }
0x7: {  	[smem:$0x7FF] =	sst s4;
	s19 =	sshll.u32 s10, $0x9;
	s20 =	sshll.u32 s10, $0x6  }
0x8: {  	s23 =	sshll.u32 s10, $0x18;
	s6 =	sshll.u32 s2, $0x9;
	s17 =	ssub.s32 $0x2, s2  }
0x9: {  	_ =	strace $0x80000047;
	s2 =	sshll.u32 s2, $0x17;
	s5 =	sor.u32 s6, s5  }
0xa: {  	s8 =	sshrl.u32 s17, $0x1;
	s6 =	sadd.s32 s19, s1;
	s1 =	sor.u32 $0x1C0B, s20  }
0xb: {  	s12 =	sor.u32 s2, s23;
	s20 =	simm.s32 $0x80;
	s23 =	simm.s32 $0xA000  }
0xc: {  	s2 =	simm.s32 $0x8;
	s7 =	sshll.u32 s5, $0x4;
	s18 =	ssub.s32 s17, s8  }
0xd: {  	s9 =	sshll.u32 s5, $0xB;
	[dreg:$0x5] =	wrdreg s1;
	s15 =	sor.u32 $0xC000, s12  }
0xe: {  	s16 =	sor.u32 $0x8000, s12;
	s17 =	sor.u32 $0x4000, s12;
	s26 =	sshrl.u32 s6, $0x3  }
0xf: {  	s21 =	sadd.s32 s9, s3;
	s25 =	smax.u32 s18, $0x1;
	[dreg:$0xb] =	wrdreg s26  }
0x10: {  	s0 =	sadd.s32 s7, s0;
	s22 =	sadd.s32 $0xFE000, s21;
	[dreg:$0xa] =	wrdreg s25  }
0x11: {  	s26 =	simm.s32 $0x5;
	s9 =	sadd.s32 $0xFE800, s21;
	[dreg:$0x6] =	wrdreg s22  }
0x12: {  	s7 =	simm.s32 $0x0;
	s24 =	sadd.s32 $0xFF000, s21;
	[dreg:$0x7] =	wrdreg s9  }
0x13: {  	s8 =	sadd.s32 $0x400, s0;
	s0 =	sadd.s32 $0xFF800, s21;
	[dreg:$0x8] =	wrdreg s24  }
0x14: {  	s21 =	simm.s32 $0x2000;
	s25 =	simm.s32 $0x1;
	[dreg:$0x9] =	wrdreg s0  }
0x15: {  	s22 =	simm.s32 $0x6000;
	s24 =	simm.s32 $0xE000;
	s0 =	simm.s32 $0x4  }
.LBB2_1:
0x16: {  	[dreg:$0xc] =	wrdreg s7  }
0x17: {  	s1 =	rddreg [dreg:$0x1]  }
0x18: {  	s18 =	rddreg [dreg:$0x5]  }
0x19: {  	s9 =	rddreg [dreg:$0xb];
	s19 =	simm.s32 $0xB  }
0x1a: {  	[spmem:s9], [sflag:s18] =	dma.local [hbm:s1], $0x40  }
0x1b: {  	_ =	swait.ge [sflag:s19], $0x40  }
0x1c: {  	[sflag:s19] =	ssyncset.done $0x0  }
0x1d: {  	s10 =	simm.s32 $0x0;
	[sflag:s19] =	ssyncadd.s32 $0xFFFFFFC0  }
0x1e: {  	[tilespmem:s4], [sflag:$0x9] =	stream.linear.gather [hbm4b:s8+s4], $0x1000, $0x38;
	[tilespmem:$0x12200] =	vst v63  }
.LBB2_3:
0x1f: {  	p0 =	sne.s32 s10, $0x0  }
.Ltmp0:
0x20: {  	s11 =	sand.u32 $0x1, s10;
	(pc) =	sbr.rel @!p0 .LBB2_4-.Ltmp0, $4  }
0x21: {  	s9 =	sadd.s32 $0x9, s11  }
0x22: {  	_ =	swait.ge [sflag:s9], $0x1000  }
0x23: {  	s7 =	sshll.u32 s11, $0xC;
	[sflag:s9] =	ssyncset.done $0x0  }
0x24: {  	s13 =	sadd.s32 $0x80, s7;
	[sflag:s9] =	ssyncadd.s32 $0xFFFFF000;
	s9 =	sadd.s32 $0x100, s7  }
0x25: {  	s14 =	sshll.u32 s10, $0x5  }
0x26: {  	s14 =	sor.u32 s5, s14  }
0x27: {  	s14 =	sshll.u32 s14, $0xE  }
0x28: {  	_ =	swait.ge [sflag:s25], $0x4000;
	s18 =	sadd.s32 $0xFFFF0000, s14  }
0x29: {  	[sflag:s25] =	ssyncset.done $0x0;
	s18 =	sshrl.u32 s18, $0x3  }
0x2a: {  	[sflag:s25] =	ssyncadd.s32 $0xFFFFC000;
	s18 =	sadd.s32 s3, s18  }
0x2b: {  	[hbm4b:s18+s4] =	stream.linear.scatter [tilespmem:s21], [sflag:$0x5], $0x4000, $0x38;
	[tilespmem:$0x12200] =	vst v63  }
0x2c: {  	_ =	swait.ge [sflag:s26], $0x4000  }
0x2d: {  	[sflag:s26] =	ssyncset.done $0x0  }
0x2e: {  	[sflag:s26] =	ssyncadd.s32 $0xFFFFC000  }
0x2f: {  	[tilespmem:s21], [sflag:$0x1] =	stream.indirect.gather [spmem:s6], $0x80, s7, s20, $0xb8;
	[tilespmem:$0x12200] =	vst v63  }
0x30: {  	s19 =	sadd.s32 $0xFFFF4000, s14;
	_ =	swait.ge [sflag:s28], $0x4000  }
0x31: {  	s18 =	sshrl.u32 s19, $0x3;
	[sflag:s28] =	ssyncset.done $0x0  }
0x32: {  	s18 =	sadd.s32 s3, s18;
	[sflag:s28] =	ssyncadd.s32 $0xFFFFC000  }
0x33: {  	[hbm4b:s18+s4] =	stream.linear.scatter [tilespmem:s22], [sflag:$0x6], $0x4000, $0x38;
	[tilespmem:$0x12200] =	vst v63  }
0x34: {  	_ =	swait.ge [sflag:s29], $0x4000  }
0x35: {  	[sflag:s29] =	ssyncset.done $0x0  }
0x36: {  	[sflag:s29] =	ssyncadd.s32 $0xFFFFC000  }
0x37: {  	[tilespmem:s22], [sflag:$0x2] =	stream.indirect.gather [spmem:s6], $0x80, s13, s20, $0xb8;
	[tilespmem:$0x12200] =	vst v63  }
0x38: {  	s1 =	sadd.s32 $0xFFFF8000, s14;
	_ =	swait.ge [sflag:s30], $0x4000  }
0x39: {  	s13 =	sshrl.u32 s1, $0x3;
	[sflag:s30] =	ssyncset.done $0x0  }
0x3a: {  	s13 =	sadd.s32 s3, s13;
	[sflag:s30] =	ssyncadd.s32 $0xFFFFC000  }
0x3b: {  	[hbm4b:s13+s4] =	stream.linear.scatter [tilespmem:s23], [sflag:$0x7], $0x4000, $0x38;
	[tilespmem:$0x12200] =	vst v63  }
0x3c: {  	_ =	swait.ge [sflag:s31], $0x4000  }
0x3d: {  	[sflag:s31] =	ssyncset.done $0x0  }
0x3e: {  	[sflag:s31] =	ssyncadd.s32 $0xFFFFC000  }
0x3f: {  	[tilespmem:s23], [sflag:$0x3] =	stream.indirect.gather [spmem:s6], $0x80, s9, s20, $0xb8;
	[tilespmem:$0x12200] =	vst v63  }
0x40: {  	s18 =	sadd.s32 $0xFFFFC000, s14;
	_ =	swait.ge [sflag:s0], $0x4000  }
0x41: {  	s9 =	sshrl.u32 s18, $0x3;
	[sflag:s0] =	ssyncset.done $0x0  }
0x42: {  	p0 =	seq.s32 s10, $0xF;
	s9 =	sadd.s32 s3, s9;
	[sflag:s0] =	ssyncadd.s32 $0xFFFFC000  }
0x43: {  	[hbm4b:s9+s4] =	stream.linear.scatter [tilespmem:s24], [sflag:$0x8], $0x4000, $0x38;
	[tilespmem:$0x12200] =	vst v63  }
.Ltmp1:
0x44: {  	_ = 	snop;
	(pc) =	sbr.rel @p0 .LBB2_8-.Ltmp1, $4  }
0x45: {  	_ =	swait.ge [sflag:s2], $0x4000  }
0x46: {  	[sflag:s2] =	ssyncset.done $0x0  }
0x47: {  	s19 =	sadd.s32 $0x180, s7;
	s9 =	simm.s32 $0x10;
	[sflag:s2] =	ssyncadd.s32 $0xFFFFC000  }
0x48: {  	[tilespmem:s24], [sflag:$0x4] =	stream.indirect.gather [spmem:s6], $0x80, s19, s20, $0xb8;
	[tilespmem:$0x12200] =	vst v63  }
.Ltmp2:
0x49: {  	(pc) =	sbr.rel .LBB2_7-.Ltmp2, $2  }
0x4a: {  	_ =	sdelay $0x2  }
0x4b: {  	s9 =	sadd.s32 $0x1, s10  }
.LBB2_4:
0x4c: {  	[tilespmem:s21], [sflag:$0x1] =	stream.indirect.gather [spmem:s6], $0x80, s7, s20, $0xb8;
	[tilespmem:$0x12200] =	vst v63  }
0x4d: {  	_ = 	snop  }
0x4e: {  	[tilespmem:s22], [sflag:$0x2] =	stream.indirect.gather [spmem:s6], $0x80, s13, s20, $0xb8;
	[tilespmem:$0x12200] =	vst v63  }
0x4f: {  	_ = 	snop  }
0x50: {  	[tilespmem:s23], [sflag:$0x3] =	stream.indirect.gather [spmem:s6], $0x80, s9, s20, $0xb8;
	[tilespmem:$0x12200] =	vst v63  }
0x51: {  	s19 =	sadd.s32 $0x180, s7;
	s9 =	simm.s32 $0x1  }
0x52: {  	[tilespmem:s24], [sflag:$0x4] =	stream.indirect.gather [spmem:s6], $0x80, s19, s20, $0xb8;
	[tilespmem:$0x12200] =	vst v63  }
.LBB2_7:
0x53: {  	s13 =	sshll.u32 s9, $0x9;
	s11 =	sxor.u32 $0x1, s11  }
0x54: {  	s14 =	sshll.u32 s11, $0xC;
	s11 =	sadd.s32 $0x9, s11;
	s13 =	sadd.s32 s13, s8  }
0x55: {  	[tilespmem:s14], [sflag:s11] =	stream.linear.gather [hbm4b:s13+s4], $0x1000, $0x38;
	[tilespmem:$0x12200] =	vst v63  }
.LBB2_8:
0x56: {  	s10 =	sshll.u32 s10, $0x13  }
0x57: {  	_ =	swait.ge [sflag:s25], $0x4000;
	s11 =	sadd.s32 s10, s12  }
0x58: {  	[sflag:s25] =	ssyncset.done $0x0;
	s11 =	sshrl.u32 s11, $0x3  }
0x59: {  	[sflag:s25] =	ssyncadd.s32 $0xFFFFC000;
	s18 =	sadd.s32 s11, s3  }
0x5a: {  	[hbm4b:s18+s4] =	stream.linear.scatter [tilespmem:s21], [sflag:$0x5], $0x4000, $0x38;
	[tilespmem:$0x12200] =	vst v63  }
0x5b: {  	_ =	swait.ge [sflag:s26], $0x4000  }
0x5c: {  	s19 =	sadd.s32 $0x0, s7;
	[sflag:s26] =	ssyncset.done $0x0  }
0x5d: {  	s1 =	sadd.s32 $0x200, s19;
	[sflag:s26] =	ssyncadd.s32 $0xFFFFC000  }
0x5e: {  	[tilespmem:s21], [sflag:$0x1] =	stream.indirect.gather [spmem:s6], $0x80, s1, s20, $0xb8;
	[tilespmem:$0x12200] =	vst v63  }
0x5f: {  	s13 =	sadd.s32 s10, s17;
	_ =	swait.ge [sflag:s28], $0x4000  }
0x60: {  	s11 =	sshrl.u32 s13, $0x3;
	[sflag:s28] =	ssyncset.done $0x0  }
0x61: {  	s11 =	sadd.s32 s11, s3;
	[sflag:s28] =	ssyncadd.s32 $0xFFFFC000  }
0x62: {  	[hbm4b:s11+s4] =	stream.linear.scatter [tilespmem:s22], [sflag:$0x6], $0x4000, $0x38;
	[tilespmem:$0x12200] =	vst v63  }
0x63: {  	_ =	swait.ge [sflag:s29], $0x4000  }
0x64: {  	[sflag:s29] =	ssyncset.done $0x0  }
0x65: {  	s13 =	sadd.s32 $0x280, s19;
	[sflag:s29] =	ssyncadd.s32 $0xFFFFC000  }
0x66: {  	[tilespmem:s22], [sflag:$0x2] =	stream.indirect.gather [spmem:s6], $0x80, s13, s20, $0xb8;
	[tilespmem:$0x12200] =	vst v63  }
0x67: {  	s14 =	sadd.s32 s10, s16;
	_ =	swait.ge [sflag:s30], $0x4000  }
0x68: {  	s13 =	sshrl.u32 s14, $0x3;
	[sflag:s30] =	ssyncset.done $0x0  }
0x69: {  	s14 =	sadd.s32 s13, s3;
	[sflag:s30] =	ssyncadd.s32 $0xFFFFC000  }
0x6a: {  	[hbm4b:s14+s4] =	stream.linear.scatter [tilespmem:s23], [sflag:$0x7], $0x4000, $0x38;
	[tilespmem:$0x12200] =	vst v63  }
0x6b: {  	_ =	swait.ge [sflag:s31], $0x4000  }
0x6c: {  	[sflag:s31] =	ssyncset.done $0x0  }
0x6d: {  	s1 =	sadd.s32 $0x300, s19;
	[sflag:s31] =	ssyncadd.s32 $0xFFFFC000  }
0x6e: {  	[tilespmem:s23], [sflag:$0x3] =	stream.indirect.gather [spmem:s6], $0x80, s1, s20, $0xb8;
	[tilespmem:$0x12200] =	vst v63  }
0x6f: {  	s10 =	sadd.s32 s10, s15;
	_ =	swait.ge [sflag:s0], $0x4000  }
0x70: {  	s10 =	sshrl.u32 s10, $0x3;
	[sflag:s0] =	ssyncset.done $0x0  }
0x71: {  	s1 =	sadd.s32 s10, s3;
	[sflag:s0] =	ssyncadd.s32 $0xFFFFC000  }
0x72: {  	[hbm4b:s1+s4] =	stream.linear.scatter [tilespmem:s24], [sflag:$0x8], $0x4000, $0x38;
	[tilespmem:$0x12200] =	vst v63  }
0x73: {  	s18 =	sadd.s32 $0x2000, s18;
	s19 =	sadd.s32 $0x380, s19;
	_ =	swait.ge [sflag:s2], $0x4000  }
0x74: {  	s11 =	sadd.s32 $0x2000, s11;
	s14 =	sadd.s32 $0x2000, s14;
	[sflag:s2] =	ssyncset.done $0x0  }
0x75: {  	s10 =	simm.s32 $0x800;
	s13 =	sadd.s32 $0x2000, s1;
	[sflag:s2] =	ssyncadd.s32 $0xFFFFC000  }
.LBB2_9:
0x76: {  	[tilespmem:s24], [sflag:$0x4] =	stream.indirect.gather [spmem:s6], $0x80, s19, s20, $0xb8;
	[tilespmem:$0x12200] =	vst v63  }
0x77: {  	s19 =	smov.u32 s10  }
0x78: {  	p0 =	seq.s32 s10, $0x3000;
	s10 =	sadd.s32 $0x800, s10;
	_ =	swait.ge [sflag:s25], $0x4000  }
0x79: {  	[sflag:s25] =	ssyncset.done $0x0  }
0x7a: {  	[sflag:s25] =	ssyncadd.s32 $0xFFFFC000  }
0x7b: {  	[hbm4b:s18+s4] =	stream.linear.scatter [tilespmem:s21], [sflag:$0x5], $0x4000, $0x38;
	[tilespmem:$0x12200] =	vst v63  }
0x7c: {  	s19 =	sshra.s32 s19, $0x2;
	_ =	swait.ge [sflag:s26], $0x4000  }
0x7d: {  	s19 =	sadd.s32 s19, s7;
	[sflag:s26] =	ssyncset.done $0x0  }
0x7e: {  	s1 =	sadd.s32 $0x200, s19;
	[sflag:s26] =	ssyncadd.s32 $0xFFFFC000  }
0x7f: {  	[tilespmem:s21], [sflag:$0x1] =	stream.indirect.gather [spmem:s6], $0x80, s1, s20, $0xb8;
	[tilespmem:$0x12200] =	vst v63  }
0x80: {  	_ =	swait.ge [sflag:s28], $0x4000  }
0x81: {  	[sflag:s28] =	ssyncset.done $0x0  }
0x82: {  	[sflag:s28] =	ssyncadd.s32 $0xFFFFC000  }
0x83: {  	[hbm4b:s11+s4] =	stream.linear.scatter [tilespmem:s22], [sflag:$0x6], $0x4000, $0x38;
	[tilespmem:$0x12200] =	vst v63  }
0x84: {  	_ =	swait.ge [sflag:s29], $0x4000  }
0x85: {  	[sflag:s29] =	ssyncset.done $0x0  }
0x86: {  	s1 =	sadd.s32 $0x280, s19;
	[sflag:s29] =	ssyncadd.s32 $0xFFFFC000  }
0x87: {  	[tilespmem:s22], [sflag:$0x2] =	stream.indirect.gather [spmem:s6], $0x80, s1, s20, $0xb8;
	[tilespmem:$0x12200] =	vst v63  }
0x88: {  	_ =	swait.ge [sflag:s30], $0x4000  }
0x89: {  	[sflag:s30] =	ssyncset.done $0x0  }
0x8a: {  	[sflag:s30] =	ssyncadd.s32 $0xFFFFC000  }
0x8b: {  	[hbm4b:s14+s4] =	stream.linear.scatter [tilespmem:s23], [sflag:$0x7], $0x4000, $0x38;
	[tilespmem:$0x12200] =	vst v63  }
0x8c: {  	_ =	swait.ge [sflag:s31], $0x4000  }
0x8d: {  	[sflag:s31] =	ssyncset.done $0x0  }
0x8e: {  	s1 =	sadd.s32 $0x300, s19;
	[sflag:s31] =	ssyncadd.s32 $0xFFFFC000  }
0x8f: {  	[tilespmem:s23], [sflag:$0x3] =	stream.indirect.gather [spmem:s6], $0x80, s1, s20, $0xb8;
	[tilespmem:$0x12200] =	vst v63  }
0x90: {  	_ =	swait.ge [sflag:s0], $0x4000  }
0x91: {  	[sflag:s0] =	ssyncset.done $0x0  }
.Ltmp3:
0x92: {  	[sflag:s0] =	ssyncadd.s32 $0xFFFFC000;
	(pc) =	sbr.rel @!p0 .LBB2_9-.Ltmp3, $4  }
0x93: {  	[hbm4b:s13+s4] =	stream.linear.scatter [tilespmem:s24], [sflag:$0x8], $0x4000, $0x38;
	[tilespmem:$0x12200] =	vst v63  }
0x94: {  	s11 =	sadd.s32 $0x2000, s11;
	_ =	swait.ge [sflag:s2], $0x4000  }
0x95: {  	s14 =	sadd.s32 $0x2000, s14;
	s13 =	sadd.s32 $0x2000, s13;
	[sflag:s2] =	ssyncset.done $0x0  }
0x96: {  	s18 =	sadd.s32 $0x2000, s18;
	s19 =	sadd.s32 $0x380, s19;
	[sflag:s2] =	ssyncadd.s32 $0xFFFFC000  }
0x97: {  	[tilespmem:s24], [sflag:$0x4] =	stream.indirect.gather [spmem:s6], $0x80, s19, s20, $0xb8;
	[tilespmem:$0x12200] =	vst v63  }
0x98: {  	p0 =	sgt.u32 s9, $0xF  }
.Ltmp4:
0x99: {  	_ = 	snop;
	(pc) =	sbr.rel @!p0 .LBB2_3-.Ltmp4, $2  }
0x9a: {  	_ =	sdelay $0x2  }
0x9b: {  	s10 =	smov.u32 s9  }
0x9c: {  	_ =	swait.ge [sflag:s25], $0x4000  }
0x9d: {  	[sflag:s25] =	ssyncset.done $0x0  }
0x9e: {  	s1 =	rddreg [dreg:$0x6];
	[sflag:s25] =	ssyncadd.s32 $0xFFFFC000  }
0x9f: {  	[hbm4b:s1+s4] =	stream.linear.scatter [tilespmem:s21], [sflag:$0x5], $0x4000, $0x38;
	[tilespmem:$0x12200] =	vst v63  }
0xa0: {  	_ =	swait.ge [sflag:s26], $0x4000  }
0xa1: {  	[sflag:s26] =	ssyncset.done $0x0  }
0xa2: {  	[sflag:s26] =	ssyncadd.s32 $0xFFFFC000  }
0xa3: {  	_ =	swait.ge [sflag:s28], $0x4000  }
0xa4: {  	[sflag:s28] =	ssyncset.done $0x0  }
0xa5: {  	s13 =	rddreg [dreg:$0x7];
	[sflag:s28] =	ssyncadd.s32 $0xFFFFC000  }
0xa6: {  	[hbm4b:s13+s4] =	stream.linear.scatter [tilespmem:s22], [sflag:$0x6], $0x4000, $0x38;
	[tilespmem:$0x12200] =	vst v63  }
0xa7: {  	_ =	swait.ge [sflag:s29], $0x4000  }
0xa8: {  	[sflag:s29] =	ssyncset.done $0x0  }
0xa9: {  	[sflag:s29] =	ssyncadd.s32 $0xFFFFC000  }
0xaa: {  	_ =	swait.ge [sflag:s30], $0x4000  }
0xab: {  	[sflag:s30] =	ssyncset.done $0x0  }
0xac: {  	s14 =	rddreg [dreg:$0x8];
	[sflag:s30] =	ssyncadd.s32 $0xFFFFC000  }
0xad: {  	[hbm4b:s14+s4] =	stream.linear.scatter [tilespmem:s23], [sflag:$0x7], $0x4000, $0x38;
	[tilespmem:$0x12200] =	vst v63  }
0xae: {  	_ =	swait.ge [sflag:s31], $0x4000  }
0xaf: {  	[sflag:s31] =	ssyncset.done $0x0  }
0xb0: {  	[sflag:s31] =	ssyncadd.s32 $0xFFFFC000  }
0xb1: {  	_ =	swait.ge [sflag:s0], $0x4000  }
0xb2: {  	[sflag:s0] =	ssyncset.done $0x0  }
0xb3: {  	s18 =	rddreg [dreg:$0x9];
	[sflag:s0] =	ssyncadd.s32 $0xFFFFC000  }
0xb4: {  	[hbm4b:s18+s4] =	stream.linear.scatter [tilespmem:s24], [sflag:$0x8], $0x4000, $0x38;
	[tilespmem:$0x12200] =	vst v63  }
0xb5: {  	_ =	swait.ge [sflag:s2], $0x4000  }
0xb6: {  	s7 =	rddreg [dreg:$0xc]  }
0xb7: {  	s19 =	rddreg [dreg:$0xa];
	s7 =	sadd.s32 $0x1, s7  }
0xb8: {  	p0 =	sne.s32 s7, s19  }
.Ltmp5:
0xb9: {  	_ = 	snop;
	(pc) =	sbr.rel @p0 .LBB2_1-.Ltmp5, $3  }
0xba: {  	_ =	sdelay $0x1  }
0xbb: {  	[sflag:s2] =	ssyncset.done $0x0  }
0xbc: {  	[sflag:s2] =	ssyncadd.s32 $0xFFFFC000  }
0xbd: {  	_ =	sfence.sel $0x180000  }
0xbe: {  	[bflag:$0x0] =	sbarrier.arrive $0xFFFF  }
0xbf: {  	_ =	strace $0x90000047  }
0xc0: {  	s0 =	stileid.u32;
	[bflag:$0x2] =	sbarrier.arrive $0xFFFF  }
0xc1: {  	p0 =	sne.s32 s0, $0x0;
	s0 =	rddreg [dreg:$0x4]  }
0xc2: {  	s0 =	sadd.s32 @!p0 $0x100000, s0  }
0xc3: {  	[sflag:s0] =	ssyncadd.tile.s32 @!p0 $0x1;
	_ =	shalt  }
.Lfunc_end2:
_tile_overlayer_lowered:
.L_overlay_start_2:
0xc4: {  	(tag) =	ssettag $0x2  }
0xc5: {  	s0 =	rddreg [dreg:$0x0];
	s2 =	stileid.u32  }
0xc6: {  	s1 =	rddreg [dreg:$0x1];
	p0 =	sne.s32 s2, $0x0  }
0xc7: {  	s3 =	rddreg [dreg:$0x2];
	[bflag:$0x3] =	sbarrier.arrive $0xFFFF;
	s2 =	simm.s32 @!p0 $0x1C0B  }
0xc8: {  	[timem:s3], [sflag:s2] =	dma.local @!p0 [hbm:s0], s1  }
0xc9: {  	s0 =	simm.s32 @!p0 $0xB  }
0xca: {  	_ =	swait.ge @!p0 [sflag:s0], s1  }
0xcb: {  	s1 =	ssub.s32 @!p0 $0x0, s1;
	[sflag:s0] =	ssyncset.done @!p0 $0x0  }
0xcc: {  	[sflag:s0] =	ssyncadd.s32 @!p0 s1  }
0xcd: {  	[bflag:$0x3] =	sbarrier.arrive $0xFFFF  }
0xce: {  	_ =	shalt  }

</sc_bundles>
